<compile_context>
chip_gen: v7x
topology: tpu7x:2x2x1
jax: 0.10.2.dev20260603
libtpu: 0.0.44.dev20260713+nightly
codegen_flags: <defaults>
</compile_context>

<pallas_src>
import functools
import jax
import jax.numpy as jnp
from jax import lax
from jax.experimental import pallas as pl
from jax.experimental.pallas import tpu as pltpu
from jax.experimental.pallas import tpu_sc as plsc

_NC = 2
_NS = 16
_NW = _NC * _NS
_L = 16


def _sc_forward(x_pairs, emb_packed, wcat, B, L, D, V, H, C):
    spw = B // _NW
    groups = spw // _L
    P = D // 2
    ow1, ob1 = 0, H * D
    ow2, ob2 = H * D + H, H * D + H + H * C
    wrows = ob2 + C

    mesh = plsc.VectorSubcoreMesh(
        core_axis_name="c", subcore_axis_name="s",
        num_cores=_NC, num_subcores=_NS,
    )

    @functools.partial(
        pl.kernel,
        out_type=jax.ShapeDtypeStruct((B * C,), jnp.float32),
        mesh=mesh,
        compiler_params=pltpu.CompilerParams(needs_layout_passes=False),
        scratch_types=[
            pltpu.VMEM((spw * L,), jnp.int32),
            pltpu.VMEM((V * P,), jnp.int32),
            pltpu.VMEM((wrows * _L,), jnp.float32),
            pltpu.VMEM((spw * C,), jnp.float32),
        ],
    )
    def fwd_kernel(x_hbm, emb_hbm, w_hbm, out_hbm, x_v, emb_v, w_v, o_v):
        wid = lax.axis_index("s") * _NC + lax.axis_index("c")
        pltpu.sync_copy(x_hbm.at[pl.ds(wid * spw * L, spw * L)], x_v)
        pltpu.sync_copy(emb_hbm, emb_v)
        pltpu.sync_copy(w_hbm, w_v)

        lane = lax.iota(jnp.int32, _L)
        lane_t = lane * L
        lane_c = lane * C
        vmask = V - 1
        himask = jnp.int32(-65536)

        def group_body(g, carry):
            x_base = g * (_L * L)

            def tok_body(t, accs):
                v = plsc.load_gather(x_v, [lane_t + (x_base + t)])
                idxp = v & vmask
                for p in range(P):
                    gat = plsc.load_gather(emb_v, [idxp + p * V])
                    lo = plsc.bitcast(gat << 16, jnp.float32)
                    hi = plsc.bitcast(gat & himask, jnp.float32)
                    accs = (accs[:2 * p]
                            + (accs[2 * p] + lo, accs[2 * p + 1] + hi)
                            + accs[2 * p + 2:])
                return accs

            zeros = (jnp.zeros((_L,), jnp.float32),) * D
            h = lax.fori_loop(0, L, tok_body, zeros)

            def mlp_body(j, st):
                outs = st
                z = w_v[pl.ds((ob1 + j) * _L, _L)]
                for d in range(D):
                    z = z + h[d] * w_v[pl.ds((ow1 + j * D + d) * _L, _L)]
                z = jnp.maximum(z, 0.0)
                return tuple(
                    outs[k] + z * w_v[pl.ds((ow2 + j * C + k) * _L, _L)]
                    for k in range(C)
                )

            outs0 = tuple(w_v[pl.ds((ob2 + k) * _L, _L)] for k in range(C))
            outs = lax.fori_loop(0, H, mlp_body, outs0)
            o_base = g * (_L * C)
            for k in range(C):
                plsc.store_scatter(o_v, [lane_c + (o_base + k)], outs[k])
            return carry

        lax.fori_loop(0, groups, group_body, 0)
        pltpu.sync_copy(o_v, out_hbm.at[pl.ds(wid * spw * C, spw * C)])

    return fwd_kernel(x_pairs, emb_packed, wcat)


def kernel(x, embed, W1, b1, W2, b2):
    B, L = x.shape
    V, D = embed.shape
    H = W1.shape[1]
    C = W2.shape[1]

    x_flat = x.astype(jnp.int32).reshape(-1)
    emb_packed = lax.bitcast_convert_type(
        embed.astype(jnp.bfloat16).reshape(V, D // 2, 2),
        jnp.int32).T.reshape(-1)
    wcat = jnp.concatenate(
        [(W1 * (1.0 / L)).T.reshape(-1), b1.reshape(-1),
         W2.reshape(-1), b2.reshape(-1)])
    wsplat = jnp.tile(wcat[:, None], (1, _L)).reshape(-1)

    out = _sc_forward(x_flat, emb_packed, wsplat, B, L, D, V, H, C)
    return out.reshape(B, C)

# --- scband reference (transcript-rebuilt; emitter-appended) ---
"""Pipeline reference for scband-emotion-classifier-74672301408632 (READ-ONLY COPY).

The authoritative reference and input builder live on the scoring server;
editing this copy changes nothing except your own understanding.
"""

import jax, jax.numpy as jnp
import numpy as np


def setup_inputs(seed: int = 0) -> dict:
    key = jax.random.key(seed)
    k1, k2, k3, k4, k5, k6 = jax.random.split(key, 6)
    x = jax.random.randint(k1, (16384, 200), 0, 512, dtype=jnp.int64)
    embed = jax.random.normal(k2, (512, 16), dtype=jnp.float32)
    W1 = jax.random.normal(k3, (16, 32), dtype=jnp.float32) * 0.25
    b1 = jnp.zeros((32,), dtype=jnp.float32)
    W2 = jax.random.normal(k4, (32, 8), dtype=jnp.float32) * 0.18
    b2 = jnp.zeros((8,), dtype=jnp.float32)
    return {"x": x, "embed": embed, "W1": W1, "b1": b1, "W2": W2, "b2": b2}


def reference(x, embed, W1, b1, W2, b2):
    # nn.Embedding lookup -> gather rows
    e = jnp.take(embed, x, axis=0)          # [B, L, 16]
    h = e.mean(axis=1)                       # [B, 16]
    h = jnp.maximum(h @ W1 + b1, 0.0)        # Linear(16,32) + ReLU
    out = h @ W2 + b2                        # Linear(32, num_classes)
    return out

if __name__ == "__main__":
    import jax
    _d = setup_inputs()
    print(jax.jit(kernel)(*tuple(_d.values())))

</pallas_src>

<mosaic_0001>
#map = affine_map<(d0, d1) -> (0)>
module attributes {stable_mosaic.version = 14 : i64} {
  func.func @fwd_kernel(%arg0: i32, %arg1: i32, %arg2: memref<3276800xi32, #tpu.memory_space<hbm>>, %arg3: memref<4096xi32, #tpu.memory_space<hbm>>, %arg4: memref<12928xf32, #tpu.memory_space<hbm>>, %arg5: memref<131072xf32, #tpu.memory_space<hbm>>, %arg6: memref<102400xi32, #tpu.memory_space<vmem>>, %arg7: memref<4096xi32, #tpu.memory_space<vmem>>, %arg8: memref<12928xf32, #tpu.memory_space<vmem>>, %arg9: memref<4096xf32, #tpu.memory_space<vmem>>) attributes {dimension_semantics = [#tpu.dimension_semantics<core_parallel>, #tpu.dimension_semantics<subcore_parallel>], iteration_bounds = array<i64: 2, 16>, scalar_prefetch = 0 : i64, scratch_operands = 4 : i64, tpu.core_type = #tpu.core_type<sc_vector_subcore>, window_params = [{transform_indices = #map}, {transform_indices = #map}, {transform_indices = #map}, {transform_indices = #map}]} {
    %mul3A = arith.constant 2 : i32
    %mul3A_0 = arith.muli %arg1, %mul3A : i32
    %add3A = arith.addi %mul3A_0, %arg0 : i32
    %mul3A_1 = arith.constant 512 : i32
    %mul3A_2 = arith.muli %add3A, %mul3A_1 : i32
    %mul3A_3 = arith.constant 200 : i32
    %mul3A_4 = arith.muli %mul3A_2, %mul3A_3 : i32
    "tpu.region"() ({
      %run_scoped3A = tpu.sem_alloc : memref<!tpu.dma_semaphore, #tpu.memory_space<semaphore_mem>>
      %dma_start3A = tpu.memref_slice %arg2[%mul3A_4] : memref<3276800xi32, #tpu.memory_space<hbm>> -> memref<102400xi32, #tpu.memory_space<hbm>>
      %dma_start3A_21 = tpu.memref_slice %arg2[%mul3A_4] : memref<3276800xi32, #tpu.memory_space<hbm>> -> memref<102400xi32, #tpu.memory_space<hbm>>
      tpu.enqueue_dma source(%dma_start3A_21 : memref<102400xi32, #tpu.memory_space<hbm>>) target(%arg6 : memref<102400xi32, #tpu.memory_space<vmem>>) target_semaphore(%run_scoped3A : memref<!tpu.dma_semaphore, #tpu.memory_space<semaphore_mem>>)
      %dma_wait3A = tpu.memref_slice %arg2[%mul3A_4] : memref<3276800xi32, #tpu.memory_space<hbm>> -> memref<102400xi32, #tpu.memory_space<hbm>>
      %dma_wait3A_22 = tpu.memref_slice %arg2[%mul3A_4] : memref<3276800xi32, #tpu.memory_space<hbm>> -> memref<102400xi32, #tpu.memory_space<hbm>>
      tpu.wait_dma2 semaphore(%run_scoped3A : memref<!tpu.dma_semaphore, #tpu.memory_space<semaphore_mem>>) src(%dma_wait3A_22 : memref<102400xi32, #tpu.memory_space<hbm>>) dst(%arg6 : memref<102400xi32, #tpu.memory_space<vmem>>)
      tpu.yield
    }) : () -> ()
    "tpu.region"() ({
      %run_scoped3A = tpu.sem_alloc : memref<!tpu.dma_semaphore, #tpu.memory_space<semaphore_mem>>
      tpu.enqueue_dma source(%arg3 : memref<4096xi32, #tpu.memory_space<hbm>>) target(%arg7 : memref<4096xi32, #tpu.memory_space<vmem>>) target_semaphore(%run_scoped3A : memref<!tpu.dma_semaphore, #tpu.memory_space<semaphore_mem>>)
      tpu.wait_dma2 semaphore(%run_scoped3A : memref<!tpu.dma_semaphore, #tpu.memory_space<semaphore_mem>>) src(%arg3 : memref<4096xi32, #tpu.memory_space<hbm>>) dst(%arg7 : memref<4096xi32, #tpu.memory_space<vmem>>)
      tpu.yield
    }) : () -> ()
    "tpu.region"() ({
      %run_scoped3A = tpu.sem_alloc : memref<!tpu.dma_semaphore, #tpu.memory_space<semaphore_mem>>
      tpu.enqueue_dma source(%arg4 : memref<12928xf32, #tpu.memory_space<hbm>>) target(%arg8 : memref<12928xf32, #tpu.memory_space<vmem>>) target_semaphore(%run_scoped3A : memref<!tpu.dma_semaphore, #tpu.memory_space<semaphore_mem>>)
      tpu.wait_dma2 semaphore(%run_scoped3A : memref<!tpu.dma_semaphore, #tpu.memory_space<semaphore_mem>>) src(%arg4 : memref<12928xf32, #tpu.memory_space<hbm>>) dst(%arg8 : memref<12928xf32, #tpu.memory_space<vmem>>)
      tpu.yield
    }) : () -> ()
    %iota3A = tpu.iota {dimensions = array<i32: 0>} : vector<16xi32>
    %mul3A_5 = arith.constant 200 : i32
    %mul3A_6 = vector.broadcast %mul3A_5 : i32 to vector<16xi32>
    %mul3A_7 = arith.muli %iota3A, %mul3A_6 : vector<16xi32>
    %mul3A_8 = arith.constant 8 : i32
    %mul3A_9 = vector.broadcast %mul3A_8 : i32 to vector<16xi32>
    %mul3A_10 = arith.muli %iota3A, %mul3A_9 : vector<16xi32>
    %scan3A = arith.constant 0 : i32
    %scan3A_11 = arith.constant -65536 : i32
    %scan3A_12 = arith.constant 0 : i32
    %scan3A_13 = arith.constant 32 : i32
    %scan3A_14 = arith.addi %scan3A_12, %scan3A_13 : i32
    %scan3A_15 = arith.constant 1 : i32
    scf.for %scan3A_21 = %scan3A_12 to %scan3A_14 step %scan3A_15  : i32 {
      %mul3A_22 = arith.constant 3200 : i32
      %mul3A_23 = arith.muli %scan3A_21, %mul3A_22 : i32
      %broadcast_in_dim3A = arith.constant 0.000000e+00 : f32
      %broadcast_in_dim3A_24 = vector.broadcast %broadcast_in_dim3A : f32 to vector<16xf32>
      %scan3A_25 = arith.constant 0 : i32
      %scan3A_26 = arith.constant 200 : i32
      %scan3A_27 = arith.addi %scan3A_25, %scan3A_26 : i32
      %scan3A_28 = arith.constant 1 : i32
      %scan3A_29:16 = scf.for %scan3A_86 = %scan3A_25 to %scan3A_27 step %scan3A_28 iter_args(%scan3A_87 = %broadcast_in_dim3A_24, %scan3A_88 = %broadcast_in_dim3A_24, %scan3A_89 = %broadcast_in_dim3A_24, %scan3A_90 = %broadcast_in_dim3A_24, %scan3A_91 = %broadcast_in_dim3A_24, %scan3A_92 = %broadcast_in_dim3A_24, %scan3A_93 = %broadcast_in_dim3A_24, %scan3A_94 = %broadcast_in_dim3A_24, %scan3A_95 = %broadcast_in_dim3A_24, %scan3A_96 = %broadcast_in_dim3A_24, %scan3A_97 = %broadcast_in_dim3A_24, %scan3A_98 = %broadcast_in_dim3A_24, %scan3A_99 = %broadcast_in_dim3A_24, %scan3A_100 = %broadcast_in_dim3A_24, %scan3A_101 = %broadcast_in_dim3A_24, %scan3A_102 = %broadcast_in_dim3A_24) -> (vector<16xf32>, vector<16xf32>, vector<16xf32>, vector<16xf32>, vector<16xf32>, vector<16xf32>, vector<16xf32>, vector<16xf32>, vector<16xf32>, vector<16xf32>, vector<16xf32>, vector<16xf32>, vector<16xf32>, vector<16xf32>, vector<16xf32>, vector<16xf32>)  : i32 {
        %add3A_103 = arith.addi %mul3A_23, %scan3A_86 : i32
        %add3A_104 = vector.broadcast %add3A_103 : i32 to vector<16xi32>
        %add3A_105 = arith.addi %mul3A_7, %add3A_104 : vector<16xi32>
        %gather3A = tpu.vector_load_idx %arg6[%add3A_105] : memref<102400xi32, #tpu.memory_space<vmem>>[vector<16xi32>], vector<16xi32>,
        %and3A = arith.constant 511 : i32
        %and3A_106 = vector.broadcast %and3A : i32 to vector<16xi32>
        %and3A_107 = arith.andi %gather3A, %and3A_106 : vector<16xi32>
        %add3A_108 = arith.constant 0 : i32
        %add3A_109 = vector.broadcast %add3A_108 : i32 to vector<16xi32>
        %add3A_110 = arith.addi %and3A_107, %add3A_109 : vector<16xi32>
        %gather3A_111 = tpu.vector_load_idx %arg7[%add3A_110] : memref<4096xi32, #tpu.memory_space<vmem>>[vector<16xi32>], vector<16xi32>,
        %shift_left3A = arith.constant 16 : i32
        %shift_left3A_112 = vector.broadcast %shift_left3A : i32 to vector<16xi32>
        %shift_left3A_113 = arith.shli %gather3A_111, %shift_left3A_112 : vector<16xi32>
        %bitcast3A = vector.bitcast %shift_left3A_113 : vector<16xi32> to vector<16xf32>
        %and3A_114 = vector.broadcast %scan3A_11 : i32 to vector<16xi32>
        %and3A_115 = arith.andi %gather3A_111, %and3A_114 : vector<16xi32>
        %bitcast3A_116 = vector.bitcast %and3A_115 : vector<16xi32> to vector<16xf32>
        %add3A_117 = arith.addf %scan3A_87, %bitcast3A : vector<16xf32>
        %add3A_118 = arith.addf %scan3A_88, %bitcast3A_116 : vector<16xf32>
        %add3A_119 = arith.constant 512 : i32
        %add3A_120 = vector.broadcast %add3A_119 : i32 to vector<16xi32>
        %add3A_121 = arith.addi %and3A_107, %add3A_120 : vector<16xi32>
        %gather3A_122 = tpu.vector_load_idx %arg7[%add3A_121] : memref<4096xi32, #tpu.memory_space<vmem>>[vector<16xi32>], vector<16xi32>,
        %shift_left3A_123 = arith.constant 16 : i32
        %shift_left3A_124 = vector.broadcast %shift_left3A_123 : i32 to vector<16xi32>
        %shift_left3A_125 = arith.shli %gather3A_122, %shift_left3A_124 : vector<16xi32>
        %bitcast3A_126 = vector.bitcast %shift_left3A_125 : vector<16xi32> to vector<16xf32>
        %and3A_127 = vector.broadcast %scan3A_11 : i32 to vector<16xi32>
        %and3A_128 = arith.andi %gather3A_122, %and3A_127 : vector<16xi32>
        %bitcast3A_129 = vector.bitcast %and3A_128 : vector<16xi32> to vector<16xf32>
        %add3A_130 = arith.addf %scan3A_89, %bitcast3A_126 : vector<16xf32>
        %add3A_131 = arith.addf %scan3A_90, %bitcast3A_129 : vector<16xf32>
        %add3A_132 = arith.constant 1024 : i32
        %add3A_133 = vector.broadcast %add3A_132 : i32 to vector<16xi32>
        %add3A_134 = arith.addi %and3A_107, %add3A_133 : vector<16xi32>
        %gather3A_135 = tpu.vector_load_idx %arg7[%add3A_134] : memref<4096xi32, #tpu.memory_space<vmem>>[vector<16xi32>], vector<16xi32>,
        %shift_left3A_136 = arith.constant 16 : i32
        %shift_left3A_137 = vector.broadcast %shift_left3A_136 : i32 to vector<16xi32>
        %shift_left3A_138 = arith.shli %gather3A_135, %shift_left3A_137 : vector<16xi32>
        %bitcast3A_139 = vector.bitcast %shift_left3A_138 : vector<16xi32> to vector<16xf32>
        %and3A_140 = vector.broadcast %scan3A_11 : i32 to vector<16xi32>
        %and3A_141 = arith.andi %gather3A_135, %and3A_140 : vector<16xi32>
        %bitcast3A_142 = vector.bitcast %and3A_141 : vector<16xi32> to vector<16xf32>
        %add3A_143 = arith.addf %scan3A_91, %bitcast3A_139 : vector<16xf32>
        %add3A_144 = arith.addf %scan3A_92, %bitcast3A_142 : vector<16xf32>
        %add3A_145 = arith.constant 1536 : i32
        %add3A_146 = vector.broadcast %add3A_145 : i32 to vector<16xi32>
        %add3A_147 = arith.addi %and3A_107, %add3A_146 : vector<16xi32>
        %gather3A_148 = tpu.vector_load_idx %arg7[%add3A_147] : memref<4096xi32, #tpu.memory_space<vmem>>[vector<16xi32>], vector<16xi32>,
        %shift_left3A_149 = arith.constant 16 : i32
        %shift_left3A_150 = vector.broadcast %shift_left3A_149 : i32 to vector<16xi32>
        %shift_left3A_151 = arith.shli %gather3A_148, %shift_left3A_150 : vector<16xi32>
        %bitcast3A_152 = vector.bitcast %shift_left3A_151 : vector<16xi32> to vector<16xf32>
        %and3A_153 = vector.broadcast %scan3A_11 : i32 to vector<16xi32>
        %and3A_154 = arith.andi %gather3A_148, %and3A_153 : vector<16xi32>
        %bitcast3A_155 = vector.bitcast %and3A_154 : vector<16xi32> to vector<16xf32>
        %add3A_156 = arith.addf %scan3A_93, %bitcast3A_152 : vector<16xf32>
        %add3A_157 = arith.addf %scan3A_94, %bitcast3A_155 : vector<16xf32>
        %add3A_158 = arith.constant 2048 : i32
        %add3A_159 = vector.broadcast %add3A_158 : i32 to vector<16xi32>
        %add3A_160 = arith.addi %and3A_107, %add3A_159 : vector<16xi32>
        %gather3A_161 = tpu.vector_load_idx %arg7[%add3A_160] : memref<4096xi32, #tpu.memory_space<vmem>>[vector<16xi32>], vector<16xi32>,
        %shift_left3A_162 = arith.constant 16 : i32
        %shift_left3A_163 = vector.broadcast %shift_left3A_162 : i32 to vector<16xi32>
        %shift_left3A_164 = arith.shli %gather3A_161, %shift_left3A_163 : vector<16xi32>
        %bitcast3A_165 = vector.bitcast %shift_left3A_164 : vector<16xi32> to vector<16xf32>
        %and3A_166 = vector.broadcast %scan3A_11 : i32 to vector<16xi32>
        %and3A_167 = arith.andi %gather3A_161, %and3A_166 : vector<16xi32>
        %bitcast3A_168 = vector.bitcast %and3A_167 : vector<16xi32> to vector<16xf32>
        %add3A_169 = arith.addf %scan3A_95, %bitcast3A_165 : vector<16xf32>
        %add3A_170 = arith.addf %scan3A_96, %bitcast3A_168 : vector<16xf32>
        %add3A_171 = arith.constant 2560 : i32
        %add3A_172 = vector.broadcast %add3A_171 : i32 to vector<16xi32>
        %add3A_173 = arith.addi %and3A_107, %add3A_172 : vector<16xi32>
        %gather3A_174 = tpu.vector_load_idx %arg7[%add3A_173] : memref<4096xi32, #tpu.memory_space<vmem>>[vector<16xi32>], vector<16xi32>,
        %shift_left3A_175 = arith.constant 16 : i32
        %shift_left3A_176 = vector.broadcast %shift_left3A_175 : i32 to vector<16xi32>
        %shift_left3A_177 = arith.shli %gather3A_174, %shift_left3A_176 : vector<16xi32>
        %bitcast3A_178 = vector.bitcast %shift_left3A_177 : vector<16xi32> to vector<16xf32>
        %and3A_179 = vector.broadcast %scan3A_11 : i32 to vector<16xi32>
        %and3A_180 = arith.andi %gather3A_174, %and3A_179 : vector<16xi32>
        %bitcast3A_181 = vector.bitcast %and3A_180 : vector<16xi32> to vector<16xf32>
        %add3A_182 = arith.addf %scan3A_97, %bitcast3A_178 : vector<16xf32>
        %add3A_183 = arith.addf %scan3A_98, %bitcast3A_181 : vector<16xf32>
        %add3A_184 = arith.constant 3072 : i32
        %add3A_185 = vector.broadcast %add3A_184 : i32 to vector<16xi32>
        %add3A_186 = arith.addi %and3A_107, %add3A_185 : vector<16xi32>
        %gather3A_187 = tpu.vector_load_idx %arg7[%add3A_186] : memref<4096xi32, #tpu.memory_space<vmem>>[vector<16xi32>], vector<16xi32>,
        %shift_left3A_188 = arith.constant 16 : i32
        %shift_left3A_189 = vector.broadcast %shift_left3A_188 : i32 to vector<16xi32>
        %shift_left3A_190 = arith.shli %gather3A_187, %shift_left3A_189 : vector<16xi32>
        %bitcast3A_191 = vector.bitcast %shift_left3A_190 : vector<16xi32> to vector<16xf32>
        %and3A_192 = vector.broadcast %scan3A_11 : i32 to vector<16xi32>
        %and3A_193 = arith.andi %gather3A_187, %and3A_192 : vector<16xi32>
        %bitcast3A_194 = vector.bitcast %and3A_193 : vector<16xi32> to vector<16xf32>
        %add3A_195 = arith.addf %scan3A_99, %bitcast3A_191 : vector<16xf32>
        %add3A_196 = arith.addf %scan3A_100, %bitcast3A_194 : vector<16xf32>
        %add3A_197 = arith.constant 3584 : i32
        %add3A_198 = vector.broadcast %add3A_197 : i32 to vector<16xi32>
        %add3A_199 = arith.addi %and3A_107, %add3A_198 : vector<16xi32>
        %gather3A_200 = tpu.vector_load_idx %arg7[%add3A_199] : memref<4096xi32, #tpu.memory_space<vmem>>[vector<16xi32>], vector<16xi32>,
        %shift_left3A_201 = arith.constant 16 : i32
        %shift_left3A_202 = vector.broadcast %shift_left3A_201 : i32 to vector<16xi32>
        %shift_left3A_203 = arith.shli %gather3A_200, %shift_left3A_202 : vector<16xi32>
        %bitcast3A_204 = vector.bitcast %shift_left3A_203 : vector<16xi32> to vector<16xf32>
        %and3A_205 = vector.broadcast %scan3A_11 : i32 to vector<16xi32>
        %and3A_206 = arith.andi %gather3A_200, %and3A_205 : vector<16xi32>
        %bitcast3A_207 = vector.bitcast %and3A_206 : vector<16xi32> to vector<16xf32>
        %add3A_208 = arith.addf %scan3A_101, %bitcast3A_204 : vector<16xf32>
        %add3A_209 = arith.addf %scan3A_102, %bitcast3A_207 : vector<16xf32>
        scf.yield %add3A_117, %add3A_118, %add3A_130, %add3A_131, %add3A_143, %add3A_144, %add3A_156, %add3A_157, %add3A_169, %add3A_170, %add3A_182, %add3A_183, %add3A_195, %add3A_196, %add3A_208, %add3A_209 : vector<16xf32>, vector<16xf32>, vector<16xf32>, vector<16xf32>, vector<16xf32>, vector<16xf32>, vector<16xf32>, vector<16xf32>, vector<16xf32>, vector<16xf32>, vector<16xf32>, vector<16xf32>, vector<16xf32>, vector<16xf32>, vector<16xf32>, vector<16xf32>
      }
      %scan3A_30 = arith.constant 200 : i32
      %get3A = arith.constant 12800 : index
      %get3A_31 = tpu.vector_load %arg8[%get3A] {strides = array<i32>} : memref<12928xf32, #tpu.memory_space<vmem>>, vector<16xf32>,
      %get3A_32 = arith.constant 12816 : index
      %get3A_33 = tpu.vector_load %arg8[%get3A_32] {strides = array<i32>} : memref<12928xf32, #tpu.memory_space<vmem>>, vector<16xf32>,
      %get3A_34 = arith.constant 12832 : index
      %get3A_35 = tpu.vector_load %arg8[%get3A_34] {strides = array<i32>} : memref<12928xf32, #tpu.memory_space<vmem>>, vector<16xf32>,
      %get3A_36 = arith.constant 12848 : index
      %get3A_37 = tpu.vector_load %arg8[%get3A_36] {strides = array<i32>} : memref<12928xf32, #tpu.memory_space<vmem>>, vector<16xf32>,
      %get3A_38 = arith.constant 12864 : index
      %get3A_39 = tpu.vector_load %arg8[%get3A_38] {strides = array<i32>} : memref<12928xf32, #tpu.memory_space<vmem>>, vector<16xf32>,
      %get3A_40 = arith.constant 12880 : index
      %get3A_41 = tpu.vector_load %arg8[%get3A_40] {strides = array<i32>} : memref<12928xf32, #tpu.memory_space<vmem>>, vector<16xf32>,
      %get3A_42 = arith.constant 12896 : index
      %get3A_43 = tpu.vector_load %arg8[%get3A_42] {strides = array<i32>} : memref<12928xf32, #tpu.memory_space<vmem>>, vector<16xf32>,
      %get3A_44 = arith.constant 12912 : index
      %get3A_45 = tpu.vector_load %arg8[%get3A_44] {strides = array<i32>} : memref<12928xf32, #tpu.memory_space<vmem>>, vector<16xf32>,
      %scan3A_46 = arith.constant 0 : i32
      %scan3A_47 = arith.constant 32 : i32
      %scan3A_48 = arith.addi %scan3A_46, %scan3A_47 : i32
      %scan3A_49 = arith.constant 1 : i32
      %scan3A_50:8 = scf.for %scan3A_86 = %scan3A_46 to %scan3A_48 step %scan3A_49 iter_args(%scan3A_87 = %get3A_31, %scan3A_88 = %get3A_33, %scan3A_89 = %get3A_35, %scan3A_90 = %get3A_37, %scan3A_91 = %get3A_39, %scan3A_92 = %get3A_41, %scan3A_93 = %get3A_43, %scan3A_94 = %get3A_45) -> (vector<16xf32>, vector<16xf32>, vector<16xf32>, vector<16xf32>, vector<16xf32>, vector<16xf32>, vector<16xf32>, vector<16xf32>)  : i32 {
        %add3A_95 = arith.constant 512 : i32
        %add3A_96 = arith.addi %add3A_95, %scan3A_86 : i32
        %mul3A_97 = arith.constant 16 : i32
        %mul3A_98 = arith.muli %add3A_96, %mul3A_97 : i32
        %get3A_99 = arith.index_cast %mul3A_98 : i32 to index
        %get3A_100 = tpu.vector_load %arg8[%get3A_99] {strides = array<i32>} : memref<12928xf32, #tpu.memory_space<vmem>>, vector<16xf32>,
        %mul3A_101 = arith.constant 16 : i32
        %mul3A_102 = arith.muli %scan3A_86, %mul3A_101 : i32
        %add3A_103 = arith.constant 0 : i32
        %add3A_104 = arith.addi %add3A_103, %mul3A_102 : i32
        %add3A_105 = arith.constant 0 : i32
        %add3A_106 = arith.addi %add3A_104, %add3A_105 : i32
        %mul3A_107 = arith.constant 16 : i32
        %mul3A_108 = arith.muli %add3A_106, %mul3A_107 : i32
        %get3A_109 = arith.index_cast %mul3A_108 : i32 to index
        %get3A_110 = tpu.vector_load %arg8[%get3A_109] {strides = array<i32>} : memref<12928xf32, #tpu.memory_space<vmem>>, vector<16xf32>,
        %mul3A_111 = arith.mulf %scan3A_29#0, %get3A_110 : vector<16xf32>
        %add3A_112 = arith.addf %get3A_100, %mul3A_111 : vector<16xf32>
        %mul3A_113 = arith.constant 16 : i32
        %mul3A_114 = arith.muli %scan3A_86, %mul3A_113 : i32
        %add3A_115 = arith.constant 0 : i32
        %add3A_116 = arith.addi %add3A_115, %mul3A_114 : i32
        %add3A_117 = arith.constant 1 : i32
        %add3A_118 = arith.addi %add3A_116, %add3A_117 : i32
        %mul3A_119 = arith.constant 16 : i32
        %mul3A_120 = arith.muli %add3A_118, %mul3A_119 : i32
        %get3A_121 = arith.index_cast %mul3A_120 : i32 to index
        %get3A_122 = tpu.vector_load %arg8[%get3A_121] {strides = array<i32>} : memref<12928xf32, #tpu.memory_space<vmem>>, vector<16xf32>,
        %mul3A_123 = arith.mulf %scan3A_29#1, %get3A_122 : vector<16xf32>
        %add3A_124 = arith.addf %add3A_112, %mul3A_123 : vector<16xf32>
        %mul3A_125 = arith.constant 16 : i32
        %mul3A_126 = arith.muli %scan3A_86, %mul3A_125 : i32
        %add3A_127 = arith.constant 0 : i32
        %add3A_128 = arith.addi %add3A_127, %mul3A_126 : i32
        %add3A_129 = arith.constant 2 : i32
        %add3A_130 = arith.addi %add3A_128, %add3A_129 : i32
        %mul3A_131 = arith.constant 16 : i32
        %mul3A_132 = arith.muli %add3A_130, %mul3A_131 : i32
        %get3A_133 = arith.index_cast %mul3A_132 : i32 to index
        %get3A_134 = tpu.vector_load %arg8[%get3A_133] {strides = array<i32>} : memref<12928xf32, #tpu.memory_space<vmem>>, vector<16xf32>,
        %mul3A_135 = arith.mulf %scan3A_29#2, %get3A_134 : vector<16xf32>
        %add3A_136 = arith.addf %add3A_124, %mul3A_135 : vector<16xf32>
        %mul3A_137 = arith.constant 16 : i32
        %mul3A_138 = arith.muli %scan3A_86, %mul3A_137 : i32
        %add3A_139 = arith.constant 0 : i32
        %add3A_140 = arith.addi %add3A_139, %mul3A_138 : i32
        %add3A_141 = arith.constant 3 : i32
        %add3A_142 = arith.addi %add3A_140, %add3A_141 : i32
        %mul3A_143 = arith.constant 16 : i32
        %mul3A_144 = arith.muli %add3A_142, %mul3A_143 : i32
        %get3A_145 = arith.index_cast %mul3A_144 : i32 to index
        %get3A_146 = tpu.vector_load %arg8[%get3A_145] {strides = array<i32>} : memref<12928xf32, #tpu.memory_space<vmem>>, vector<16xf32>,
        %mul3A_147 = arith.mulf %scan3A_29#3, %get3A_146 : vector<16xf32>
        %add3A_148 = arith.addf %add3A_136, %mul3A_147 : vector<16xf32>
        %mul3A_149 = arith.constant 16 : i32
        %mul3A_150 = arith.muli %scan3A_86, %mul3A_149 : i32
        %add3A_151 = arith.constant 0 : i32
        %add3A_152 = arith.addi %add3A_151, %mul3A_150 : i32
        %add3A_153 = arith.constant 4 : i32
        %add3A_154 = arith.addi %add3A_152, %add3A_153 : i32
        %mul3A_155 = arith.constant 16 : i32
        %mul3A_156 = arith.muli %add3A_154, %mul3A_155 : i32
        %get3A_157 = arith.index_cast %mul3A_156 : i32 to index
        %get3A_158 = tpu.vector_load %arg8[%get3A_157] {strides = array<i32>} : memref<12928xf32, #tpu.memory_space<vmem>>, vector<16xf32>,
        %mul3A_159 = arith.mulf %scan3A_29#4, %get3A_158 : vector<16xf32>
        %add3A_160 = arith.addf %add3A_148, %mul3A_159 : vector<16xf32>
        %mul3A_161 = arith.constant 16 : i32
        %mul3A_162 = arith.muli %scan3A_86, %mul3A_161 : i32
        %add3A_163 = arith.constant 0 : i32
        %add3A_164 = arith.addi %add3A_163, %mul3A_162 : i32
        %add3A_165 = arith.constant 5 : i32
        %add3A_166 = arith.addi %add3A_164, %add3A_165 : i32
        %mul3A_167 = arith.constant 16 : i32
        %mul3A_168 = arith.muli %add3A_166, %mul3A_167 : i32
        %get3A_169 = arith.index_cast %mul3A_168 : i32 to index
        %get3A_170 = tpu.vector_load %arg8[%get3A_169] {strides = array<i32>} : memref<12928xf32, #tpu.memory_space<vmem>>, vector<16xf32>,
        %mul3A_171 = arith.mulf %scan3A_29#5, %get3A_170 : vector<16xf32>
        %add3A_172 = arith.addf %add3A_160, %mul3A_171 : vector<16xf32>
        %mul3A_173 = arith.constant 16 : i32
        %mul3A_174 = arith.muli %scan3A_86, %mul3A_173 : i32
        %add3A_175 = arith.constant 0 : i32
        %add3A_176 = arith.addi %add3A_175, %mul3A_174 : i32
        %add3A_177 = arith.constant 6 : i32
        %add3A_178 = arith.addi %add3A_176, %add3A_177 : i32
        %mul3A_179 = arith.constant 16 : i32
        %mul3A_180 = arith.muli %add3A_178, %mul3A_179 : i32
        %get3A_181 = arith.index_cast %mul3A_180 : i32 to index
        %get3A_182 = tpu.vector_load %arg8[%get3A_181] {strides = array<i32>} : memref<12928xf32, #tpu.memory_space<vmem>>, vector<16xf32>,
        %mul3A_183 = arith.mulf %scan3A_29#6, %get3A_182 : vector<16xf32>
        %add3A_184 = arith.addf %add3A_172, %mul3A_183 : vector<16xf32>
        %mul3A_185 = arith.constant 16 : i32
        %mul3A_186 = arith.muli %scan3A_86, %mul3A_185 : i32
        %add3A_187 = arith.constant 0 : i32
        %add3A_188 = arith.addi %add3A_187, %mul3A_186 : i32
        %add3A_189 = arith.constant 7 : i32
        %add3A_190 = arith.addi %add3A_188, %add3A_189 : i32
        %mul3A_191 = arith.constant 16 : i32
        %mul3A_192 = arith.muli %add3A_190, %mul3A_191 : i32
        %get3A_193 = arith.index_cast %mul3A_192 : i32 to index
        %get3A_194 = tpu.vector_load %arg8[%get3A_193] {strides = array<i32>} : memref<12928xf32, #tpu.memory_space<vmem>>, vector<16xf32>,
        %mul3A_195 = arith.mulf %scan3A_29#7, %get3A_194 : vector<16xf32>
        %add3A_196 = arith.addf %add3A_184, %mul3A_195 : vector<16xf32>
        %mul3A_197 = arith.constant 16 : i32
        %mul3A_198 = arith.muli %scan3A_86, %mul3A_197 : i32
        %add3A_199 = arith.constant 0 : i32
        %add3A_200 = arith.addi %add3A_199, %mul3A_198 : i32
        %add3A_201 = arith.constant 8 : i32
        %add3A_202 = arith.addi %add3A_200, %add3A_201 : i32
        %mul3A_203 = arith.constant 16 : i32
        %mul3A_204 = arith.muli %add3A_202, %mul3A_203 : i32
        %get3A_205 = arith.index_cast %mul3A_204 : i32 to index
        %get3A_206 = tpu.vector_load %arg8[%get3A_205] {strides = array<i32>} : memref<12928xf32, #tpu.memory_space<vmem>>, vector<16xf32>,
        %mul3A_207 = arith.mulf %scan3A_29#8, %get3A_206 : vector<16xf32>
        %add3A_208 = arith.addf %add3A_196, %mul3A_207 : vector<16xf32>
        %mul3A_209 = arith.constant 16 : i32
        %mul3A_210 = arith.muli %scan3A_86, %mul3A_209 : i32
        %add3A_211 = arith.constant 0 : i32
        %add3A_212 = arith.addi %add3A_211, %mul3A_210 : i32
        %add3A_213 = arith.constant 9 : i32
        %add3A_214 = arith.addi %add3A_212, %add3A_213 : i32
        %mul3A_215 = arith.constant 16 : i32
        %mul3A_216 = arith.muli %add3A_214, %mul3A_215 : i32
        %get3A_217 = arith.index_cast %mul3A_216 : i32 to index
        %get3A_218 = tpu.vector_load %arg8[%get3A_217] {strides = array<i32>} : memref<12928xf32, #tpu.memory_space<vmem>>, vector<16xf32>,
        %mul3A_219 = arith.mulf %scan3A_29#9, %get3A_218 : vector<16xf32>
        %add3A_220 = arith.addf %add3A_208, %mul3A_219 : vector<16xf32>
        %mul3A_221 = arith.constant 16 : i32
        %mul3A_222 = arith.muli %scan3A_86, %mul3A_221 : i32
        %add3A_223 = arith.constant 0 : i32
        %add3A_224 = arith.addi %add3A_223, %mul3A_222 : i32
        %add3A_225 = arith.constant 10 : i32
        %add3A_226 = arith.addi %add3A_224, %add3A_225 : i32
        %mul3A_227 = arith.constant 16 : i32
        %mul3A_228 = arith.muli %add3A_226, %mul3A_227 : i32
        %get3A_229 = arith.index_cast %mul3A_228 : i32 to index
        %get3A_230 = tpu.vector_load %arg8[%get3A_229] {strides = array<i32>} : memref<12928xf32, #tpu.memory_space<vmem>>, vector<16xf32>,
        %mul3A_231 = arith.mulf %scan3A_29#10, %get3A_230 : vector<16xf32>
        %add3A_232 = arith.addf %add3A_220, %mul3A_231 : vector<16xf32>
        %mul3A_233 = arith.constant 16 : i32
        %mul3A_234 = arith.muli %scan3A_86, %mul3A_233 : i32
        %add3A_235 = arith.constant 0 : i32
        %add3A_236 = arith.addi %add3A_235, %mul3A_234 : i32
        %add3A_237 = arith.constant 11 : i32
        %add3A_238 = arith.addi %add3A_236, %add3A_237 : i32
        %mul3A_239 = arith.constant 16 : i32
        %mul3A_240 = arith.muli %add3A_238, %mul3A_239 : i32
        %get3A_241 = arith.index_cast %mul3A_240 : i32 to index
        %get3A_242 = tpu.vector_load %arg8[%get3A_241] {strides = array<i32>} : memref<12928xf32, #tpu.memory_space<vmem>>, vector<16xf32>,
        %mul3A_243 = arith.mulf %scan3A_29#11, %get3A_242 : vector<16xf32>
        %add3A_244 = arith.addf %add3A_232, %mul3A_243 : vector<16xf32>
        %mul3A_245 = arith.constant 16 : i32
        %mul3A_246 = arith.muli %scan3A_86, %mul3A_245 : i32
        %add3A_247 = arith.constant 0 : i32
        %add3A_248 = arith.addi %add3A_247, %mul3A_246 : i32
        %add3A_249 = arith.constant 12 : i32
        %add3A_250 = arith.addi %add3A_248, %add3A_249 : i32
        %mul3A_251 = arith.constant 16 : i32
        %mul3A_252 = arith.muli %add3A_250, %mul3A_251 : i32
        %get3A_253 = arith.index_cast %mul3A_252 : i32 to index
        %get3A_254 = tpu.vector_load %arg8[%get3A_253] {strides = array<i32>} : memref<12928xf32, #tpu.memory_space<vmem>>, vector<16xf32>,
        %mul3A_255 = arith.mulf %scan3A_29#12, %get3A_254 : vector<16xf32>
        %add3A_256 = arith.addf %add3A_244, %mul3A_255 : vector<16xf32>
        %mul3A_257 = arith.constant 16 : i32
        %mul3A_258 = arith.muli %scan3A_86, %mul3A_257 : i32
        %add3A_259 = arith.constant 0 : i32
        %add3A_260 = arith.addi %add3A_259, %mul3A_258 : i32
        %add3A_261 = arith.constant 13 : i32
        %add3A_262 = arith.addi %add3A_260, %add3A_261 : i32
        %mul3A_263 = arith.constant 16 : i32
        %mul3A_264 = arith.muli %add3A_262, %mul3A_263 : i32
        %get3A_265 = arith.index_cast %mul3A_264 : i32 to index
        %get3A_266 = tpu.vector_load %arg8[%get3A_265] {strides = array<i32>} : memref<12928xf32, #tpu.memory_space<vmem>>, vector<16xf32>,
        %mul3A_267 = arith.mulf %scan3A_29#13, %get3A_266 : vector<16xf32>
        %add3A_268 = arith.addf %add3A_256, %mul3A_267 : vector<16xf32>
        %mul3A_269 = arith.constant 16 : i32
        %mul3A_270 = arith.muli %scan3A_86, %mul3A_269 : i32
        %add3A_271 = arith.constant 0 : i32
        %add3A_272 = arith.addi %add3A_271, %mul3A_270 : i32
        %add3A_273 = arith.constant 14 : i32
        %add3A_274 = arith.addi %add3A_272, %add3A_273 : i32
        %mul3A_275 = arith.constant 16 : i32
        %mul3A_276 = arith.muli %add3A_274, %mul3A_275 : i32
        %get3A_277 = arith.index_cast %mul3A_276 : i32 to index
        %get3A_278 = tpu.vector_load %arg8[%get3A_277] {strides = array<i32>} : memref<12928xf32, #tpu.memory_space<vmem>>, vector<16xf32>,
        %mul3A_279 = arith.mulf %scan3A_29#14, %get3A_278 : vector<16xf32>
        %add3A_280 = arith.addf %add3A_268, %mul3A_279 : vector<16xf32>
        %mul3A_281 = arith.constant 16 : i32
        %mul3A_282 = arith.muli %scan3A_86, %mul3A_281 : i32
        %add3A_283 = arith.constant 0 : i32
        %add3A_284 = arith.addi %add3A_283, %mul3A_282 : i32
        %add3A_285 = arith.constant 15 : i32
        %add3A_286 = arith.addi %add3A_284, %add3A_285 : i32
        %mul3A_287 = arith.constant 16 : i32
        %mul3A_288 = arith.muli %add3A_286, %mul3A_287 : i32
        %get3A_289 = arith.index_cast %mul3A_288 : i32 to index
        %get3A_290 = tpu.vector_load %arg8[%get3A_289] {strides = array<i32>} : memref<12928xf32, #tpu.memory_space<vmem>>, vector<16xf32>,
        %mul3A_291 = arith.mulf %scan3A_29#15, %get3A_290 : vector<16xf32>
        %add3A_292 = arith.addf %add3A_280, %mul3A_291 : vector<16xf32>
        %max3A = arith.constant 0.000000e+00 : f32
        %max3A_293 = vector.broadcast %max3A : f32 to vector<16xf32>
        %max3A_294 = arith.maximumf %add3A_292, %max3A_293 : vector<16xf32>
        %mul3A_295 = arith.constant 8 : i32
        %mul3A_296 = arith.muli %scan3A_86, %mul3A_295 : i32
        %add3A_297 = arith.constant 544 : i32
        %add3A_298 = arith.addi %add3A_297, %mul3A_296 : i32
        %add3A_299 = arith.constant 0 : i32
        %add3A_300 = arith.addi %add3A_298, %add3A_299 : i32
        %mul3A_301 = arith.constant 16 : i32
        %mul3A_302 = arith.muli %add3A_300, %mul3A_301 : i32
        %get3A_303 = arith.index_cast %mul3A_302 : i32 to index
        %get3A_304 = tpu.vector_load %arg8[%get3A_303] {strides = array<i32>} : memref<12928xf32, #tpu.memory_space<vmem>>, vector<16xf32>,
        %mul3A_305 = arith.mulf %max3A_294, %get3A_304 : vector<16xf32>
        %add3A_306 = arith.addf %scan3A_87, %mul3A_305 : vector<16xf32>
        %mul3A_307 = arith.constant 8 : i32
        %mul3A_308 = arith.muli %scan3A_86, %mul3A_307 : i32
        %add3A_309 = arith.constant 544 : i32
        %add3A_310 = arith.addi %add3A_309, %mul3A_308 : i32
        %add3A_311 = arith.constant 1 : i32
        %add3A_312 = arith.addi %add3A_310, %add3A_311 : i32
        %mul3A_313 = arith.constant 16 : i32
        %mul3A_314 = arith.muli %add3A_312, %mul3A_313 : i32
        %get3A_315 = arith.index_cast %mul3A_314 : i32 to index
        %get3A_316 = tpu.vector_load %arg8[%get3A_315] {strides = array<i32>} : memref<12928xf32, #tpu.memory_space<vmem>>, vector<16xf32>,
        %mul3A_317 = arith.mulf %max3A_294, %get3A_316 : vector<16xf32>
        %add3A_318 = arith.addf %scan3A_88, %mul3A_317 : vector<16xf32>
        %mul3A_319 = arith.constant 8 : i32
        %mul3A_320 = arith.muli %scan3A_86, %mul3A_319 : i32
        %add3A_321 = arith.constant 544 : i32
        %add3A_322 = arith.addi %add3A_321, %mul3A_320 : i32
        %add3A_323 = arith.constant 2 : i32
        %add3A_324 = arith.addi %add3A_322, %add3A_323 : i32
        %mul3A_325 = arith.constant 16 : i32
        %mul3A_326 = arith.muli %add3A_324, %mul3A_325 : i32
        %get3A_327 = arith.index_cast %mul3A_326 : i32 to index
        %get3A_328 = tpu.vector_load %arg8[%get3A_327] {strides = array<i32>} : memref<12928xf32, #tpu.memory_space<vmem>>, vector<16xf32>,
        %mul3A_329 = arith.mulf %max3A_294, %get3A_328 : vector<16xf32>
        %add3A_330 = arith.addf %scan3A_89, %mul3A_329 : vector<16xf32>
        %mul3A_331 = arith.constant 8 : i32
        %mul3A_332 = arith.muli %scan3A_86, %mul3A_331 : i32
        %add3A_333 = arith.constant 544 : i32
        %add3A_334 = arith.addi %add3A_333, %mul3A_332 : i32
        %add3A_335 = arith.constant 3 : i32
        %add3A_336 = arith.addi %add3A_334, %add3A_335 : i32
        %mul3A_337 = arith.constant 16 : i32
        %mul3A_338 = arith.muli %add3A_336, %mul3A_337 : i32
        %get3A_339 = arith.index_cast %mul3A_338 : i32 to index
        %get3A_340 = tpu.vector_load %arg8[%get3A_339] {strides = array<i32>} : memref<12928xf32, #tpu.memory_space<vmem>>, vector<16xf32>,
        %mul3A_341 = arith.mulf %max3A_294, %get3A_340 : vector<16xf32>
        %add3A_342 = arith.addf %scan3A_90, %mul3A_341 : vector<16xf32>
        %mul3A_343 = arith.constant 8 : i32
        %mul3A_344 = arith.muli %scan3A_86, %mul3A_343 : i32
        %add3A_345 = arith.constant 544 : i32
        %add3A_346 = arith.addi %add3A_345, %mul3A_344 : i32
        %add3A_347 = arith.constant 4 : i32
        %add3A_348 = arith.addi %add3A_346, %add3A_347 : i32
        %mul3A_349 = arith.constant 16 : i32
        %mul3A_350 = arith.muli %add3A_348, %mul3A_349 : i32
        %get3A_351 = arith.index_cast %mul3A_350 : i32 to index
        %get3A_352 = tpu.vector_load %arg8[%get3A_351] {strides = array<i32>} : memref<12928xf32, #tpu.memory_space<vmem>>, vector<16xf32>,
        %mul3A_353 = arith.mulf %max3A_294, %get3A_352 : vector<16xf32>
        %add3A_354 = arith.addf %scan3A_91, %mul3A_353 : vector<16xf32>
        %mul3A_355 = arith.constant 8 : i32
        %mul3A_356 = arith.muli %scan3A_86, %mul3A_355 : i32
        %add3A_357 = arith.constant 544 : i32
        %add3A_358 = arith.addi %add3A_357, %mul3A_356 : i32
        %add3A_359 = arith.constant 5 : i32
        %add3A_360 = arith.addi %add3A_358, %add3A_359 : i32
        %mul3A_361 = arith.constant 16 : i32
        %mul3A_362 = arith.muli %add3A_360, %mul3A_361 : i32
        %get3A_363 = arith.index_cast %mul3A_362 : i32 to index
        %get3A_364 = tpu.vector_load %arg8[%get3A_363] {strides = array<i32>} : memref<12928xf32, #tpu.memory_space<vmem>>, vector<16xf32>,
        %mul3A_365 = arith.mulf %max3A_294, %get3A_364 : vector<16xf32>
        %add3A_366 = arith.addf %scan3A_92, %mul3A_365 : vector<16xf32>
        %mul3A_367 = arith.constant 8 : i32
        %mul3A_368 = arith.muli %scan3A_86, %mul3A_367 : i32
        %add3A_369 = arith.constant 544 : i32
        %add3A_370 = arith.addi %add3A_369, %mul3A_368 : i32
        %add3A_371 = arith.constant 6 : i32
        %add3A_372 = arith.addi %add3A_370, %add3A_371 : i32
        %mul3A_373 = arith.constant 16 : i32
        %mul3A_374 = arith.muli %add3A_372, %mul3A_373 : i32
        %get3A_375 = arith.index_cast %mul3A_374 : i32 to index
        %get3A_376 = tpu.vector_load %arg8[%get3A_375] {strides = array<i32>} : memref<12928xf32, #tpu.memory_space<vmem>>, vector<16xf32>,
        %mul3A_377 = arith.mulf %max3A_294, %get3A_376 : vector<16xf32>
        %add3A_378 = arith.addf %scan3A_93, %mul3A_377 : vector<16xf32>
        %mul3A_379 = arith.constant 8 : i32
        %mul3A_380 = arith.muli %scan3A_86, %mul3A_379 : i32
        %add3A_381 = arith.constant 544 : i32
        %add3A_382 = arith.addi %add3A_381, %mul3A_380 : i32
        %add3A_383 = arith.constant 7 : i32
        %add3A_384 = arith.addi %add3A_382, %add3A_383 : i32
        %mul3A_385 = arith.constant 16 : i32
        %mul3A_386 = arith.muli %add3A_384, %mul3A_385 : i32
        %get3A_387 = arith.index_cast %mul3A_386 : i32 to index
        %get3A_388 = tpu.vector_load %arg8[%get3A_387] {strides = array<i32>} : memref<12928xf32, #tpu.memory_space<vmem>>, vector<16xf32>,
        %mul3A_389 = arith.mulf %max3A_294, %get3A_388 : vector<16xf32>
        %add3A_390 = arith.addf %scan3A_94, %mul3A_389 : vector<16xf32>
        scf.yield %add3A_306, %add3A_318, %add3A_330, %add3A_342, %add3A_354, %add3A_366, %add3A_378, %add3A_390 : vector<16xf32>, vector<16xf32>, vector<16xf32>, vector<16xf32>, vector<16xf32>, vector<16xf32>, vector<16xf32>, vector<16xf32>
      }
      %scan3A_51 = arith.constant 32 : i32
      %mul3A_52 = arith.constant 128 : i32
      %mul3A_53 = arith.muli %scan3A_21, %mul3A_52 : i32
      %add3A_54 = arith.constant 0 : i32
      %add3A_55 = arith.addi %mul3A_53, %add3A_54 : i32
      %add3A_56 = vector.broadcast %add3A_55 : i32 to vector<16xi32>
      %add3A_57 = arith.addi %mul3A_10, %add3A_56 : vector<16xi32>
      tpu.vector_store_idx %arg9[%add3A_57], %scan3A_50#0 : memref<4096xf32, #tpu.memory_space<vmem>>[vector<16xi32>], vector<16xf32>,
      %add3A_58 = arith.constant 1 : i32
      %add3A_59 = arith.addi %mul3A_53, %add3A_58 : i32
      %add3A_60 = vector.broadcast %add3A_59 : i32 to vector<16xi32>
      %add3A_61 = arith.addi %mul3A_10, %add3A_60 : vector<16xi32>
      tpu.vector_store_idx %arg9[%add3A_61], %scan3A_50#1 : memref<4096xf32, #tpu.memory_space<vmem>>[vector<16xi32>], vector<16xf32>,
      %add3A_62 = arith.constant 2 : i32
      %add3A_63 = arith.addi %mul3A_53, %add3A_62 : i32
      %add3A_64 = vector.broadcast %add3A_63 : i32 to vector<16xi32>
      %add3A_65 = arith.addi %mul3A_10, %add3A_64 : vector<16xi32>
      tpu.vector_store_idx %arg9[%add3A_65], %scan3A_50#2 : memref<4096xf32, #tpu.memory_space<vmem>>[vector<16xi32>], vector<16xf32>,
      %add3A_66 = arith.constant 3 : i32
      %add3A_67 = arith.addi %mul3A_53, %add3A_66 : i32
      %add3A_68 = vector.broadcast %add3A_67 : i32 to vector<16xi32>
      %add3A_69 = arith.addi %mul3A_10, %add3A_68 : vector<16xi32>
      tpu.vector_store_idx %arg9[%add3A_69], %scan3A_50#3 : memref<4096xf32, #tpu.memory_space<vmem>>[vector<16xi32>], vector<16xf32>,
      %add3A_70 = arith.constant 4 : i32
      %add3A_71 = arith.addi %mul3A_53, %add3A_70 : i32
      %add3A_72 = vector.broadcast %add3A_71 : i32 to vector<16xi32>
      %add3A_73 = arith.addi %mul3A_10, %add3A_72 : vector<16xi32>
      tpu.vector_store_idx %arg9[%add3A_73], %scan3A_50#4 : memref<4096xf32, #tpu.memory_space<vmem>>[vector<16xi32>], vector<16xf32>,
      %add3A_74 = arith.constant 5 : i32
      %add3A_75 = arith.addi %mul3A_53, %add3A_74 : i32
      %add3A_76 = vector.broadcast %add3A_75 : i32 to vector<16xi32>
      %add3A_77 = arith.addi %mul3A_10, %add3A_76 : vector<16xi32>
      tpu.vector_store_idx %arg9[%add3A_77], %scan3A_50#5 : memref<4096xf32, #tpu.memory_space<vmem>>[vector<16xi32>], vector<16xf32>,
      %add3A_78 = arith.constant 6 : i32
      %add3A_79 = arith.addi %mul3A_53, %add3A_78 : i32
      %add3A_80 = vector.broadcast %add3A_79 : i32 to vector<16xi32>
      %add3A_81 = arith.addi %mul3A_10, %add3A_80 : vector<16xi32>
      tpu.vector_store_idx %arg9[%add3A_81], %scan3A_50#6 : memref<4096xf32, #tpu.memory_space<vmem>>[vector<16xi32>], vector<16xf32>,
      %add3A_82 = arith.constant 7 : i32
      %add3A_83 = arith.addi %mul3A_53, %add3A_82 : i32
      %add3A_84 = vector.broadcast %add3A_83 : i32 to vector<16xi32>
      %add3A_85 = arith.addi %mul3A_10, %add3A_84 : vector<16xi32>
      tpu.vector_store_idx %arg9[%add3A_85], %scan3A_50#7 : memref<4096xf32, #tpu.memory_space<vmem>>[vector<16xi32>], vector<16xf32>,
    }
    %scan3A_16 = arith.constant 32 : i32
    %mul3A_17 = arith.constant 512 : i32
    %mul3A_18 = arith.muli %add3A, %mul3A_17 : i32
    %mul3A_19 = arith.constant 8 : i32
    %mul3A_20 = arith.muli %mul3A_18, %mul3A_19 : i32
    "tpu.region"() ({
      %run_scoped3A = tpu.sem_alloc : memref<!tpu.dma_semaphore, #tpu.memory_space<semaphore_mem>>
      %dma_start3A = tpu.memref_slice %arg5[%mul3A_20] : memref<131072xf32, #tpu.memory_space<hbm>> -> memref<4096xf32, #tpu.memory_space<hbm>>
      %dma_start3A_21 = tpu.memref_slice %arg5[%mul3A_20] : memref<131072xf32, #tpu.memory_space<hbm>> -> memref<4096xf32, #tpu.memory_space<hbm>>
      tpu.enqueue_dma source(%arg9 : memref<4096xf32, #tpu.memory_space<vmem>>) target(%dma_start3A_21 : memref<4096xf32, #tpu.memory_space<hbm>>) target_semaphore(%run_scoped3A : memref<!tpu.dma_semaphore, #tpu.memory_space<semaphore_mem>>)
      %dma_wait3A = tpu.memref_slice %arg5[%mul3A_20] : memref<131072xf32, #tpu.memory_space<hbm>> -> memref<4096xf32, #tpu.memory_space<hbm>>
      %dma_wait3A_22 = tpu.memref_slice %arg5[%mul3A_20] : memref<131072xf32, #tpu.memory_space<hbm>> -> memref<4096xf32, #tpu.memory_space<hbm>>
      tpu.wait_dma2 semaphore(%run_scoped3A : memref<!tpu.dma_semaphore, #tpu.memory_space<semaphore_mem>>) src(%arg9 : memref<4096xf32, #tpu.memory_space<vmem>>) dst(%dma_wait3A_22 : memref<4096xf32, #tpu.memory_space<hbm>>)
      tpu.yield
    }) : () -> ()
    return
  }
}

</mosaic_0001>

<sc_bundles>
// kernel: kernel.3.cloned.1.call-start
scs
__scs_entry_jumppad:
0x0: {  	(pc) =	sbr.rel $0x88, $3  }
0x1: {  	(tag) =	ssettag $0x0;
	lr =	simm.s32 $0x1  }
0x2: {  	[smem:$0x3F9B] =	sst lr;
	_ =	strace $0xD0000000  }
0x3: {  	_ = 	snop  }
0x4: {  	_ = 	snop  }
0x5: {  	_ = 	snop  }
0x6: {  	_ = 	snop  }
0x7: {  	_ = 	snop  }
__scs_overlays_trampoline_lowered:
0x8: {  	[smem:$0x3FAA] =	sst s0  }
0x9: {  	[smem:$0x3FAB] =	sst s1  }
0xa: {  	[smem:$0x3FAC] =	sst s2  }
0xb: {  	[smem:$0x3FAD] =	sst s3  }
0xc: {  	[smem:$0x3FAE] =	sst s4  }
0xd: {  	[smem:$0x3FAF] =	sst s5  }
0xe: {  	[smem:$0x3FB0] =	sst s6  }
0xf: {  	[smem:$0x3FB1] =	sst s7  }
0x10: {  	[smem:$0x3FB2] =	sst s8  }
0x11: {  	[smem:$0x3FB3] =	sst s9;
	s0 =	simm.s32 @!p0 $0x0  }
0x12: {  	s1 =	sld [smem:$0x3F99];
	s0 =	simm.s32 @p0 $0x1  }
0x13: {  	[smem:$0x3FB4] =	sst s0;
	s0 =	simm.s32 @!p1 $0x0  }
0x14: {  	s2 =	sld [smem:$0x3F98];
	s0 =	simm.s32 @p1 $0x1  }
0x15: {  	[smem:$0x3FB5] =	sst s0;
	s0 =	simm.s32 @!p2 $0x0  }
0x16: {  	s3 =	sld [smem:$0x3FDB];
	s0 =	simm.s32 @p2 $0x1  }
0x17: {  	s4 =	simm.s32 $0x1BF5;
	[smem:$0x3FB7] =	sst s0  }
0x18: {  	s0 =	sld [smem:$0x3F9A];
	_ =	swait.ge [sflag:s4], $0x0  }
0x19: {  	s7 =	sld [smem:$0x3F9B]  }
0x1a: {  	s8 =	sadd.s32 $0xFFFFE003, lr  }
0x1b: {  	s9 =	sadd.s32 $0xFFFFFEF7, lr;
	s5 =	simm.s32 $0xFFFFFFFF;
	p2 =	slt.u32 s8, $0xFFFFF086  }
0x1c: {  	p1 =	slt.u32 s9, $0xF7A;
	s5 =	simm.s32 @!p2 $0x0  }
0x1d: {  	s5 =	simm.s32 @p1 $0x1;
	p0 =	seq.s32 s7, s2  }
0x1e: {  	s7 =	smul.u32 @!p0 $0xF7A, s2;
	p2 =	seq.s32 @!p0 s5, $0x0  }
0x1f: {  	s9 =	smul.u32 $0xF7A, s1;
	s8 =	simm.s32 @!p0 $0x1BF5;
	p2 =	por !p2, p0  }
0x20: {  	[sflag:s8] =	ssyncset.s32 @!p0 $0xFFFFF086;
	s6 =	sadd.s32 @!p0 s3, s7;
	s7 =	simm.s32 @!p0 $0x108  }
0x21: {  	s3 =	sadd.s32 s3, s9;
	s6 =	sadd.s32 @!p0 $0x88, s6;
	s7 =	simm.s32 @p2 $0x1082  }
0x22: {  	[simem:s7], [sflag:s8] =	dma.local @!p0 [hbm:s6], $0xF7A  }
0x23: {  	s9 =	sor.u32 $0xD0000000, s2;
	s6 =	simm.s32 $0x108;
	_ =	swait.ge @!p0 [sflag:s8], $0x0  }
0x24: {  	s3 =	sadd.s32 $0x88, s3;
	s6 =	simm.s32 @!p1 $0x1082;
	[sflag:s4] =	ssyncset.s32 $0xFFFFF086  }
0x25: {  	[simem:s6], [sflag:s4] =	dma.local [hbm:s3], $0xF7A  }
0x26: {  	[smem:$0x3F9B] =	sst s1;
	(tag) =	ssettag s2;
	_ =	strace s9  }
0x27: {  	s1 =	sld [smem:$0x3FAB]  }
0x28: {  	s2 =	sld [smem:$0x3FAC]  }
0x29: {  	s4 =	sld [smem:$0x3FAE]  }
0x2a: {  	p0 =	seq.s32 s5, $0x0;
	s5 =	sld [smem:$0x3FAF]  }
0x2b: {  	s6 =	sld [smem:$0x3FB0]  }
0x2c: {  	s7 =	sld [smem:$0x3FB1]  }
0x2d: {  	s3 =	simm.s32 $0x108;
	s8 =	sld [smem:$0x3FB2]  }
0x2e: {  	s3 =	simm.s32 @!p0 $0x1082;
	s9 =	sld [smem:$0x3FB3]  }
0x2f: {  	lr =	sadd.s32 s0, s3;
	s0 =	sld [smem:$0x3FAA]  }
0x30: {  	s3 =	sld [smem:$0x3FAD]  }
0x31: {  	[smem:$0x3FB6] =	sst s10  }
0x32: {  	s10 =	sld [smem:$0x3FB4];
	_ =	sdelay $0x3  }
0x33: {  	p0 =	seq.s32 s10, $0x1;
	s10 =	sld [smem:$0x3FB6];
	_ =	sdelay $0x3  }
0x34: {  	[smem:$0x3FB6] =	sst s10  }
0x35: {  	s10 =	sld [smem:$0x3FB5];
	_ =	sdelay $0x3  }
0x36: {  	p1 =	seq.s32 s10, $0x1;
	s10 =	sld [smem:$0x3FB6];
	_ =	sdelay $0x3  }
0x37: {  	[smem:$0x3FB6] =	sst s10  }
0x38: {  	s10 =	sld [smem:$0x3FB7]  }
0x39: {  	_ = 	snop;
	(pc) =	sbr.ind lr, $3  }
0x3a: {  	_ = 	snop  }
0x3b: {  	_ = 	snop  }
0x3c: {  	p2 =	seq.s32 s10, $0x1;
	s10 =	sld [smem:$0x3FB6]  }
0x3d: {  	_ =	shalt  }
0x3e: {  	_ =	shalt  }
0x3f: {  	_ =	shalt  }
0x40: {  	_ =	shalt  }
0x41: {  	_ =	shalt  }
0x42: {  	_ =	shalt  }
0x43: {  	_ =	shalt  }
0x44: {  	_ =	shalt  }
0x45: {  	_ =	shalt  }
0x46: {  	_ =	shalt  }
0x47: {  	_ =	shalt  }
0x48: {  	_ =	shalt  }
0x49: {  	_ =	shalt  }
0x4a: {  	_ =	shalt  }
0x4b: {  	_ =	shalt  }
0x4c: {  	_ =	shalt  }
0x4d: {  	_ =	shalt  }
0x4e: {  	_ =	shalt  }
0x4f: {  	_ =	shalt  }
0x50: {  	_ =	shalt  }
0x51: {  	_ =	shalt  }
0x52: {  	_ =	shalt  }
0x53: {  	_ =	shalt  }
0x54: {  	_ =	shalt  }
0x55: {  	_ =	shalt  }
0x56: {  	_ =	shalt  }
0x57: {  	_ =	shalt  }
0x58: {  	_ =	shalt  }
0x59: {  	_ =	shalt  }
0x5a: {  	_ =	shalt  }
0x5b: {  	_ =	shalt  }
0x5c: {  	_ =	shalt  }
0x5d: {  	_ =	shalt  }
0x5e: {  	_ =	shalt  }
0x5f: {  	_ =	shalt  }
0x60: {  	_ =	shalt  }
0x61: {  	_ =	shalt  }
0x62: {  	_ =	shalt  }
0x63: {  	_ =	shalt  }
0x64: {  	_ =	shalt  }
0x65: {  	_ =	shalt  }
0x66: {  	_ =	shalt  }
0x67: {  	_ =	shalt  }
0x68: {  	_ =	shalt  }
0x69: {  	_ =	shalt  }
0x6a: {  	_ =	shalt  }
0x6b: {  	_ =	shalt  }
0x6c: {  	_ =	shalt  }
0x6d: {  	_ =	shalt  }
0x6e: {  	_ =	shalt  }
0x6f: {  	_ =	shalt  }
0x70: {  	_ =	shalt  }
0x71: {  	_ =	shalt  }
0x72: {  	_ =	shalt  }
0x73: {  	_ =	shalt  }
0x74: {  	_ =	shalt  }
0x75: {  	_ =	shalt  }
0x76: {  	_ =	shalt  }
0x77: {  	_ =	shalt  }
0x78: {  	_ =	shalt  }
0x79: {  	_ =	shalt  }
0x7a: {  	_ =	shalt  }
0x7b: {  	_ =	shalt  }
0x7c: {  	_ =	shalt  }
0x7d: {  	_ =	shalt  }
0x7e: {  	_ =	shalt  }
0x7f: {  	_ =	shalt  }
0x80: {  	_ =	shalt  }
0x81: {  	_ =	shalt  }
0x82: {  	_ =	shalt  }
0x83: {  	_ =	shalt  }
0x84: {  	_ =	shalt  }
0x85: {  	_ =	shalt  }
0x86: {  	_ =	shalt  }
0x87: {  	_ =	shalt  }
.Lfunc_end0:
.L_simem_size_0:
called_computation_lowered:
.L_overlay_start_0:
0x88: {  	s2 =	sld [smem:$0x3FD9]  }
0x89: {  	s3 =	sld [smem:$0x3FFE];
	_ =	sdelay $0x1  }
0x8a: {  	s1 =	srdreg.scid  }
0x8b: {  	s0 =	sand.u32 $0x1, s1  }
0x8c: {  	s17 =	sshll.u32 s0, $0xA;
	s2 =	sadd.s32 s3, s2  }
0x8d: {  	s2 =	sadd.s32 s2, s17  }
0x8e: {  	[smem:$0x3FC2] =	sst s2  }
0x8f: {  	_ = 	snop  }
0x90: {  	s2 =	sld [smem:$0x3FD0];
	(tm) =	ssettm $0x1  }
0x91: {  	s18 =	sld [smem:$0x3FFB];
	_ =	sdelay $0x3  }
0x92: {  	_ =	strace s18  }
0x93: {  	s3 =	sld [smem:$0x3FFC];
	_ =	sdelay $0x3  }
0x94: {  	_ =	strace s3  }
0x95: {  	s3 =	sld [smem:$0x3FFD];
	_ =	sdelay $0x3  }
0x96: {  	_ =	strace s3  }
0x97: {  	_ =	strace $0x8FFFFFFF  }
0x98: {  	s19 =	sld [smem:$0x3FDB];
	_ =	sdelay $0x1  }
0x99: {  	s4 =	simm.s32 $_scs_section_size  }
0x9a: {  	s5 =	simm.s32 $_size__tile_overlayer_lowered;
	s6 =	simm.s32 $_tile_overlayer_lowered  }
0x9b: {  	s22 =	simm.s32 $0x1BFF;
	s21 =	sshll.u32 s6, $0x1;
	s3 =	sadd.s32 s4, s19  }
0x9c: {  	s7 =	simm.s32 $0x0;
	s20 =	sshll.u32 s5, $0x1;
	s5 =	sadd.s32 s21, s3  }
0x9d: {  	[timem:s7], [sflag:s22] =	dma.local [hbm:s5], s20  }
0x9e: {  	_ =	swait.ge [sflag:s22], s20  }
0x9f: {  	s4 =	ssub.s32 $0x0, s20;
	[sflag:s22] =	ssyncset.done $0x0  }
0xa0: {  	[sflag:s22] =	ssyncadd.s32 s4;
	_ =	sdelay $0x1  }
0xa1: {  	s23 =	simm.s32 $0x1B8B  }
0xa2: {  	_ =	swait.ge [sflag:s23], $0x1  }
0xa3: {  	[sflag:s23] =	ssyncset.done $0x0  }
0xa4: {  	s25 =	simm.s32 $0x1B8E;
	s24 =	sld [smem:$0x3FFE];
	[sflag:s23] =	ssyncadd.s32 $0xFFFFFFFF  }
0xa5: {  	s26 =	simm.s32 $execute0_lowered;
	[smem:$0x3FD2] =	sst s25  }
0xa6: {  	s5 =	sshll.u32 s26, $0x1;
	_ =	strace $0x80000046;
	[dreg:$0x1] =	wrdreg $0xFFFFFFFF  }
0xa7: {  	s28 =	simm.s32 $_size_execute0_lowered;
	s3 =	sadd.s32 s3, s5;
	[dreg:$0x0] =	wrdreg $0x0  }
0xa8: {  	s5 =	sshll.u32 s28, $0x1;
	[dreg:$0x2] =	wrdreg s3  }
0xa9: {  	[dreg:$0x3] =	wrdreg s5  }
0xaa: {  	[dreg:$0x4] =	wrdreg $0xC0  }
0xab: {  	_ =	task [dreg:s7], $0x5FFFF  }
0xac: {  	[dreg:$0x1] =	wrdreg $0xFFFFFFFF  }
0xad: {  	[dreg:$0x0] =	wrdreg $0x60  }
0xae: {  	[dreg:$0x2] =	wrdreg s24  }
0xaf: {  	[dreg:$0x3] =	wrdreg s2  }
0xb0: {  	[dreg:$0x4] =	wrdreg $0x9  }
0xb1: {  	_ =	task.clear_ibuf [dreg:s7], $0x5FFFF;
	_ =	strace $0x90000046  }
0xb2: {  	s29 =	simm.s32 $0x9;
	_ =	strace $0x80000048  }
0xb3: {  	_ =	swait.ge [sflag:s29], $0x1  }
0xb4: {  	[sflag:s29] =	ssyncadd.s32 $0xFFFFFFFF  }
0xb5: {  	_ =	strace $0x90000048  }
0xb6: {  	_ =	sfence  }
0xb7: {  	s30 =	sld [smem:$0x0];
	_ =	sdelay $0x2  }
0xb8: {  	s31 =	sshll.u32 s1, $0xD;
	s1 =	sshrl.u32 s1, $0x2  }
0xb9: {  	s3 =	sand.u32 $0x4000, s31;
	s1 =	sadd.s32 s1, s30  }
0xba: {  	s0 =	sor.u32 s3, s0;
	s1 =	sshll.u32 s1, $0x11  }
0xbb: {  	s0 =	sor.u32 s1, s0  }
0xbc: {  	s0 =	sadd.s32 $0x8F2B, s0  }
0xbd: {  	[sflag:s0] =	ssyncadd.remote.s32 $0x1  }
0xbe: {  	_ =	sfence.sel $0xFFFF  }
0xbf: {  	[dreg:$0x0] =	wrdreg $0xFFFFFFFF;
	(pc) =	sbr.abs _section_cstart, $3  }
0xc0: {  	[dreg:$0x1] =	wrdreg $0xFFFFFFFF  }
0xc1: {  	_ =	task.clear_ibuf [dreg:s7], $0x2FFFF;
	_ =	strace $0x9FFFFFFF  }
0xc2: {  	(tm) =	ssettm $0x7FFFFFFF  }
0xc3: {  	_ =	shalt  }
tec
execute0_lowered:
.L_overlay_start_1:
0x0: {  	(tag) =	ssettag $0x1  }
0x1: {  	s4 =	rddreg [dreg:$0x0]  }
0x2: {  	s1 =	srdreg.scid;
	s0 =	stileid.u32  }
0x3: {  	s6 =	rddreg [dreg:$0x1];
	s2 =	simm.s32 $0x0;
	s10 =	simm.s32 $0x1A000  }
0x4: {  	s11 =	simm.s32 $0x1D280;
	s5 =	sand.u32 $0x1, s1;
	s3 =	sshll.u32 s0, $0x1  }
0x5: {  	v1 =	vlaneseq.u32;
	s12 =	simm.s32 $0x0;
	s1 =	rddreg [dreg:$0x2];
	s7 =	sor.u32 s5, s3  }
0x6: {  	[smem:$0x7FF] =	sst s2;
	v0 =	vmul.u32 $0x8, v1;
	s5 =	ssub.s32 $0x2, s5;
	s3 =	smul.u32 $0x3200, s7  }
0x7: {  	_ =	strace $0x80000047;
	s9 =	sshrl.u32 s5, $0x1;
	s7 =	sshll.u32 s7, $0x9  }
0x8: {  	v1 =	vmul.u32 $0xC8, v1;
	v2 =	vor.u32 $0x1, v0;
	s9 =	ssub.s32 s5, s9;
	s6 =	sadd.s32 s6, s7;
	s8 =	sadd.s32 s3, s4  }
0x9: {  	v3 =	vor.u32 $0x2, v0;
	v4 =	vor.u32 $0x3, v0;
	v5 =	vor.u32 $0x4, v0;
	s3 =	sadd.s32 $0x65200, s4;
	s4 =	sadd.s32 $0x64A00, s4;
	s7 =	smax.u32 s9, $0x1  }
0xa: {  	v6 =	vor.u32 $0x5, v0;
	v7 =	vor.u32 $0x6, v0;
	v8 =	vor.u32 $0x7, v0;
	s9 =	simm.s32 $0x19000;
	s5 =	sadd.s32 $0xA00, s8;
	s8 =	simm.s32 $0x1  }
.LBB2_1:
0xb: {  	[tilespmem:s2], [sflag:$0x1] =	stream.linear.gather [hbm4b:s5+s2], $0x19000, $0x38;
	[tilespmem:$0x1E280] =	vst v63  }
0xc: {  	_ =	swait.ge [sflag:s8], $0x19000  }
0xd: {  	[sflag:s8] =	ssyncset.done $0x0  }
0xe: {  	[sflag:s8] =	ssyncadd.s32 $0xFFFE7000  }
0xf: {  	[tilespmem:s9], [sflag:$0x1] =	stream.linear.gather [hbm4b:s3+s2], $0x1000, $0x38;
	[tilespmem:$0x1E280] =	vst v63  }
0x10: {  	_ =	swait.ge [sflag:s8], $0x1000  }
0x11: {  	[sflag:s8] =	ssyncset.done $0x0  }
0x12: {  	[sflag:s8] =	ssyncadd.s32 $0xFFFFF000  }
0x13: {  	[tilespmem:s10], [sflag:$0x1] =	stream.linear.gather [hbm4b:s4+s2], $0x3280, $0x38;
	[tilespmem:$0x1E280] =	vst v63  }
0x14: {  	_ =	swait.ge [sflag:s8], $0x3280  }
0x15: {  	[sflag:s8] =	ssyncset.done $0x0  }
0x16: {  	s13 =	simm.s32 $0x0;
	s14 =	simm.s32 $0x0;
	[sflag:s8] =	ssyncadd.s32 $0xFFFFCD80  }
.LBB2_2:
0x17: {  	s15 =	sadd.s32 $0x0, s13  }
0x18: {  	v9 =	vadd.s32 s15, v1;
	_ =	sdelay $0x4  }
0x19: {  	v9 =	vld.idx.msk [tilespmem:v9+s2+$0x0], $0xffff;
	_ =	sdelay $0x2  }
0x1a: {  	s31 =	sadd.s32 $0x1, s13  }
0x1b: {  	v11 =	vadd.s32 s31, v1  }
0x1c: {  	v9 =	vand.u32 $0x1FF, v9;
	_ =	sdelay $0x1  }
0x1d: {  	v10 =	vor.u32 $0xA00, v9  }
0x1e: {  	v12 =	vor.u32 $0xC00, v9  }
0x1f: {  	v11 =	vld.idx.msk [tilespmem:v11+s2+$0x0], $0xffff;
	v15 =	vor.u32 $0xE00, v9  }
0x20: {  	v19 =	vor.u32 $0x200, v9;
	v13 =	vld.idx.msk [tilespmem:v9+s9+$0x0], $0xffff  }
0x21: {  	v22 =	vor.u32 $0x800, v9;
	v20 =	vor.u32 $0x400, v9;
	v9 =	vor.u32 $0x600, v9  }
0x22: {  	v23 =	vimm.f32 $0.0e+00;
	v24 =	vimm.f32 $0.0e+00;
	v10 =	vld.idx.msk [tilespmem:v10+s9+$0x0], $0xffff  }
0x23: {  	v17 =	vimm.f32 $0.0e+00;
	v25 =	vimm.f32 $0.0e+00;
	v27 =	vimm.f32 $0.0e+00;
	v14 =	vld.idx.msk [tilespmem:v12+s9+$0x0], $0xffff  }
0x24: {  	v29 =	vimm.f32 $0.0e+00;
	v32 =	vand.u32 $0x1FF, v11;
	v11 =	vimm.f32 $0.0e+00;
	v28 =	vld.idx.msk [tilespmem:v15+s9+$0x0], $0xffff  }
0x25: {  	v15 =	vimm.f32 $0.0e+00;
	v30 =	vld.idx.msk [tilespmem:v19+s9+$0x0], $0xffff;
	v19 =	vimm.f32 $0.0e+00;
	v12 =	vshll.u32 v13, $0x10  }
0x26: {  	v13 =	vand.u32 $0xFFFF0000, v13;
	v18 =	vld.idx.msk [tilespmem:v9+s9+$0x0], $0xffff;
	v9 =	vimm.f32 $0.0e+00;
	v12 =	vadd.f32 v12, v23  }
0x27: {  	v16 =	vshll.u32 v10, $0x10;
	v26 =	vand.u32 $0xFFFF0000, v10;
	v13 =	vadd.f32 v13, v23  }
0x28: {  	v33 =	vshll.u32 v14, $0x10;
	v31 =	vand.u32 $0xFFFF0000, v14;
	v10 =	vimm.f32 $0.0e+00  }
0x29: {  	s15 =	simm.s32 $0x2;
	v20 =	vld.idx.msk [tilespmem:v20+s9+$0x0], $0xffff;
	v14 =	vimm.f32 $0.0e+00;
	v21 =	vadd.f32 v16, v23;
	v16 =	vimm.f32 $0.0e+00  }
.LBB2_3:
0x2a: {  	s16 =	sadd.s32 s15, s13;
	p0 =	sne.s32 s15, $0xC7;
	s15 =	sadd.s32 $0x1, s15;
	v34 =	vor.u32 $0xA00, v32;
	v35 =	vor.u32 $0xE00, v32;
	v23 =	vadd.f32 v33, v23  }
0x2b: {  	v36 =	vshll.u32 v18, $0x10;
	v24 =	vadd.f32 v31, v24;
	v33 =	vadd.s32 s16, v1  }
0x2c: {  	v31 =	vor.u32 $0xC00, v32;
	v18 =	vand.u32 $0xFFFF0000, v18;
	v37 =	vld.idx.msk [tilespmem:v22+s9+$0x0], $0xffff;
	v22 =	vor.u32 $0x800, v32  }
0x2d: {  	v38 =	vor.u32 $0x200, v32;
	v39 =	vor.u32 $0x400, v32;
	v40 =	vand.u32 $0xFFFF0000, v28  }
0x2e: {  	v28 =	vshll.u32 v28, $0x10;
	v42 =	vand.u32 $0xFFFF0000, v20;
	v41 =	vld.idx.msk [tilespmem:v32+s9+$0x0], $0xffff;
	v32 =	vor.u32 $0x600, v32  }
0x2f: {  	v10 =	vadd.f32 v36, v10;
	v43 =	vshll.u32 v30, $0x10;
	v16 =	vadd.f32 v42, v16;
	v34 =	vld.idx.msk [tilespmem:v34+s9+$0x0], $0xffff  }
0x30: {  	v9 =	vadd.f32 v18, v9;
	v30 =	vand.u32 $0xFFFF0000, v30;
	v17 =	vadd.f32 v43, v17;
	v33 =	vld.idx.msk [tilespmem:v33+s2+$0x0], $0xffff  }
0x31: {  	v18 =	vshll.u32 v20, $0x10;
	v25 =	vadd.f32 v28, v25;
	v14 =	vadd.f32 v30, v14;
	v31 =	vld.idx.msk [tilespmem:v31+s9+$0x0], $0xffff  }
0x32: {  	v27 =	vadd.f32 v40, v27;
	v15 =	vadd.f32 v18, v15;
	v20 =	vand.u32 $0xFFFF0000, v37;
	v28 =	vld.idx.msk [tilespmem:v35+s9+$0x0], $0xffff  }
.Ltmp0:
0x33: {  	v29 =	vadd.f32 v26, v29;
	v30 =	vshll.u32 v37, $0x10;
	v19 =	vadd.f32 v20, v19;
	v18 =	vld.idx.msk [tilespmem:v32+s9+$0x0], $0xffff;
	(pc) =	sbr.rel @p0 .LBB2_3-.Ltmp0, $4  }
0x34: {  	v11 =	vadd.f32 v30, v11;
	v26 =	vshll.u32 v41, $0x10;
	v32 =	vand.u32 $0xFFFF0000, v41;
	v20 =	vld.idx.msk [tilespmem:v39+s9+$0x0], $0xffff  }
0x35: {  	v12 =	vadd.f32 v26, v12;
	v35 =	vshll.u32 v34, $0x10;
	v26 =	vand.u32 $0xFFFF0000, v34;
	v30 =	vld.idx.msk [tilespmem:v38+s9+$0x0], $0xffff  }
0x36: {  	v13 =	vadd.f32 v32, v13;
	v21 =	vadd.f32 v35, v21  }
0x37: {  	v32 =	vand.u32 $0x1FF, v33;
	v33 =	vshll.u32 v31, $0x10;
	v31 =	vand.u32 $0xFFFF0000, v31  }
0x38: {  	_ =	sdelay $0x3  }
0x39: {  	v34 =	vor.u32 $0xA00, v32;
	v22 =	vld.idx.msk [tilespmem:v22+s9+$0x0], $0xffff  }
0x3a: {  	v35 =	vor.u32 $0xC00, v32;
	v36 =	vor.u32 $0xE00, v32;
	v37 =	vor.u32 $0x600, v32;
	v39 =	vld.idx.msk [tilespmem:v32+s9+$0x0], $0xffff  }
0x3b: {  	v38 =	vor.u32 $0x400, v32;
	v40 =	vor.u32 $0x200, v32;
	v57 =	vor.u32 $0x800, v32;
	s16 =	simm.s32 $0x1A080;
	v32 =	vld [tilespmem:$0x1D210]  }
0x3c: {  	v60 =	vld [tilespmem:s16+$0xFFFFFF80]  }
0x3d: {  	v61 =	vld [tilespmem:s16+$0xFFFFFF90]  }
0x3e: {  	v63 =	vld [tilespmem:s16+$0xFFFFFFA0]  }
0x3f: {  	v50 =	vld [tilespmem:s16+$0xFFFFFFC0]  }
0x40: {  	v53 =	vld [tilespmem:s16+$0xFFFFFFD0]  }
0x41: {  	v56 =	vld [tilespmem:s16+$0xFFFFFFE0]  }
0x42: {  	s15 =	simm.s32 $0x0;
	v59 =	vld.idx.msk [tilespmem:v40+s9+$0x0], $0xffff  }
0x43: {  	v26 =	vadd.f32 v26, v29;
	s15 =	sand.u32 $0x1F0, s15;
	v29 =	vld [tilespmem:s16+$0x40]  }
0x44: {  	v44 =	vld [tilespmem:s15+$0x1C000];
	v43 =	vshll.u32 v39, $0x10  }
0x45: {  	v45 =	vshll.u32 v30, $0x10;
	v62 =	vand.u32 $0xFFFF0000, v30;
	v58 =	vld.idx.msk [tilespmem:v38+s9+$0x0], $0xffff;
	v12 =	vadd.f32 v43, v12  }
0x46: {  	v17 =	vadd.f32 v45, v17;
	v46 =	vadd.f32 v62, v14;
	v62 =	vld [tilespmem:s16+$0x0];
	v30 =	vand.u32 $0xFFFF0000, v39  }
0x47: {  	v45 =	vld [tilespmem:s16+$0x70];
	v13 =	vadd.f32 v30, v13;
	v38 =	vmul.f32 v60, v12;
	v48 =	vshll.u32 v59, $0x10  }
0x48: {  	v47 =	vshll.u32 v20, $0x10;
	v14 =	vadd.f32 v48, v17;
	v17 =	vld [tilespmem:s16+$0xFFFFFFB0]  }
0x49: {  	v20 =	vand.u32 $0xFFFF0000, v20;
	v41 =	vld.idx.msk [tilespmem:v34+s9+$0x0], $0xffff;
	v40 =	vmul.f32 v61, v13;
	v38 =	vadd.f32 v38, v44  }
0x4a: {  	v49 =	vadd.f32 v47, v15;
	v37 =	vld.idx.msk [tilespmem:v37+s9+$0x0], $0xffff;
	v34 =	vand.u32 $0xFFFF0000, v59;
	v51 =	vshll.u32 v58, $0x10  }
0x4b: {  	v42 =	vld.idx.msk [tilespmem:v35+s9+$0x0], $0xffff;
	v15 =	vadd.f32 v34, v46;
	v38 =	vadd.f32 v40, v38;
	v39 =	vmul.f32 v63, v14  }
0x4c: {  	v52 =	vshll.u32 v18, $0x10;
	v20 =	vadd.f32 v20, v16;
	v36 =	vld.idx.msk [tilespmem:v36+s9+$0x0], $0xffff;
	v16 =	vadd.f32 v51, v49  }
0x4d: {  	v18 =	vand.u32 $0xFFFF0000, v18;
	v35 =	vld [tilespmem:$0x1D230];
	v38 =	vadd.f32 v39, v38;
	v55 =	vmul.f32 v17, v15  }
0x4e: {  	v43 =	vld.idx.msk [tilespmem:v57+s9+$0x0], $0xffff;
	v54 =	vand.u32 $0xFFFF0000, v58;
	v40 =	vadd.f32 v52, v10;
	v57 =	vmul.f32 v50, v16  }
0x4f: {  	v30 =	vld [tilespmem:$0x1D200];
	v17 =	vadd.f32 v54, v20;
	v20 =	vshll.u32 v37, $0x10;
	v38 =	vadd.f32 v55, v38  }
0x50: {  	v58 =	vadd.f32 v18, v9;
	v59 =	vld [tilespmem:s16+$0xFFFFFFF0];
	v18 =	vadd.f32 v20, v40  }
0x51: {  	v9 =	vld [tilespmem:$0x1D250];
	v20 =	vshll.u32 v22, $0x10;
	v60 =	vmul.f32 v53, v17;
	v38 =	vadd.f32 v57, v38  }
0x52: {  	v44 =	vld [tilespmem:$0x1D270];
	v22 =	vand.u32 $0xFFFF0000, v22;
	v61 =	vadd.f32 v20, v11;
	v11 =	vand.u32 $0xFFFF0000, v37  }
0x53: {  	v34 =	vld [tilespmem:$0x1D220];
	v20 =	vadd.f32 v11, v58;
	v63 =	vmul.f32 v56, v18;
	v38 =	vadd.f32 v60, v38  }
0x54: {  	v49 =	vld [tilespmem:s16+$0x10];
	v19 =	vadd.f32 v22, v19;
	v22 =	vshll.u32 v43, $0x10  }
0x55: {  	s15 =	simm.s32 $0x1A180;
	v51 =	vld [tilespmem:s16+$0x20];
	v22 =	vadd.f32 v22, v61;
	v50 =	vmul.f32 v59, v20;
	v38 =	vadd.f32 v63, v38  }
0x56: {  	v33 =	vadd.f32 v33, v23;
	v24 =	vadd.f32 v31, v24;
	v48 =	vand.u32 $0xFFFF0000, v43;
	v46 =	vld [tilespmem:s15+$0xFFFFFFC0]  }
0x57: {  	v53 =	vld [tilespmem:s16+$0x30];
	v19 =	vadd.f32 v48, v19;
	v37 =	vmul.f32 v62, v22;
	v38 =	vadd.f32 v50, v38  }
0x58: {  	s17 =	simm.s32 $0x10;
	v31 =	vshll.u32 v28, $0x10;
	v52 =	vshll.u32 v41, $0x10;
	v41 =	vand.u32 $0xFFFF0000, v41;
	v55 =	vld [tilespmem:s15+$0xFFFFFF80]  }
0x59: {  	s17 =	sand.u32 $0x1F0, s17;
	v21 =	vadd.f32 v52, v21;
	v56 =	vld [tilespmem:s15+$0xFFFFFF90];
	v54 =	vmul.f32 v49, v19;
	v37 =	vadd.f32 v37, v38  }
0x5a: {  	v31 =	vadd.f32 v31, v25;
	v23 =	vadd.f32 v41, v26;
	v26 =	vshll.u32 v42, $0x10;
	v58 =	vld [tilespmem:s17+$0x1C000]  }
0x5b: {  	v42 =	vand.u32 $0xFFFF0000, v42;
	v57 =	vmul.f32 v51, v21;
	v59 =	vld [tilespmem:s16+$0x50];
	v37 =	vadd.f32 v54, v37  }
0x5c: {  	v26 =	vadd.f32 v26, v33;
	v25 =	vadd.f32 v42, v24;
	v24 =	vshll.u32 v36, $0x10;
	v61 =	vld [tilespmem:s15+$0xFFFFFFA0]  }
0x5d: {  	v62 =	vld [tilespmem:s16+$0x60];
	v60 =	vmul.f32 v53, v23;
	v43 =	vmul.f32 v55, v12;
	v37 =	vadd.f32 v57, v37  }
0x5e: {  	v28 =	vand.u32 $0xFFFF0000, v28;
	v24 =	vadd.f32 v24, v31;
	v29 =	vmul.f32 v29, v26;
	v63 =	vld [tilespmem:s15+$0xFFFFFFB0]  }
0x5f: {  	v10 =	vld [tilespmem:$0x1D240];
	v41 =	vmul.f32 v56, v13;
	v31 =	vadd.f32 v43, v58;
	v37 =	vadd.f32 v60, v37  }
0x60: {  	v27 =	vadd.f32 v28, v27;
	v36 =	vand.u32 $0xFFFF0000, v36;
	v39 =	vld [tilespmem:s15+$0x40];
	v33 =	vmul.f32 v59, v25  }
0x61: {  	v51 =	vld [tilespmem:s15+$0xFFFFFFE0];
	v28 =	vadd.f32 v41, v31;
	v31 =	vmul.f32 v61, v14;
	v29 =	vadd.f32 v29, v37  }
0x62: {  	v27 =	vadd.f32 v36, v27;
	s16 =	simm.s32 $0x1C270;
	v49 =	vld [tilespmem:s15+$0xFFFFFFD0];
	v48 =	vmul.f32 v62, v24  }
0x63: {  	v47 =	vld [tilespmem:s16+$0x0];
	v28 =	vadd.f32 v31, v28;
	v31 =	vmul.f32 v63, v15;
	v29 =	vadd.f32 v33, v29  }
0x64: {  	v52 =	vmul.f32 v45, v27;
	v53 =	vld [tilespmem:s16+$0xFFFFFFA0]  }
0x65: {  	v56 =	vld [tilespmem:s15+$0x0];
	v28 =	vadd.f32 v31, v28;
	v31 =	vmul.f32 v46, v16;
	v29 =	vadd.f32 v48, v29  }
0x66: {  	v54 =	vld [tilespmem:s15+$0xFFFFFFF0]  }
0x67: {  	v58 =	vld [tilespmem:s15+$0x10];
	v28 =	vadd.f32 v31, v28;
	v31 =	vmul.f32 v49, v17;
	v29 =	vadd.f32 v52, v29  }
0x68: {  	v50 =	vld [tilespmem:s16+$0xFFFFFF90]  }
0x69: {  	v55 =	vld [tilespmem:s16+$0xFFFFFFB0];
	v28 =	vadd.f32 v31, v28;
	v33 =	vmax.f32 v29, $0.0e+00;
	v29 =	vmul.f32 v51, v18  }
0x6a: {  	v57 =	vld [tilespmem:s16+$0xFFFFFFC0]  }
0x6b: {  	v60 =	vld [tilespmem:s16+$0xFFFFFFD0];
	v59 =	vmul.f32 v54, v20;
	v28 =	vadd.f32 v29, v28  }
0x6c: {  	v62 =	vld [tilespmem:s15+$0x20];
	v42 =	vmul.f32 v56, v22;
	v31 =	vmul.f32 v47, v33  }
0x6d: {  	v36 =	vld [tilespmem:s16+$0xFFFFFFE0];
	v63 =	vmul.f32 v58, v19;
	v61 =	vmul.f32 v33, v50;
	v28 =	vadd.f32 v59, v28  }
0x6e: {  	v38 =	vld [tilespmem:s15+$0x30];
	v37 =	vmul.f32 v33, v53;
	v41 =	vmul.f32 v55, v33;
	v29 =	vadd.f32 v31, v44  }
0x6f: {  	v11 =	vld [tilespmem:$0x1D260];
	v43 =	vmul.f32 v57, v33;
	v31 =	vadd.f32 v61, v30;
	v42 =	vadd.f32 v42, v28  }
0x70: {  	s17 =	simm.s32 $0x1A280;
	v30 =	vadd.f32 v37, v32;
	v37 =	vld [tilespmem:s15+$0x50];
	v32 =	vadd.f32 v41, v34;
	v34 =	vmul.f32 v60, v33  }
0x71: {  	s18 =	simm.s32 $0x20;
	s19 =	simm.s32 $0x30;
	v40 =	vmul.f32 v62, v21;
	v41 =	vld [tilespmem:s17+$0xFFFFFF80];
	v28 =	vadd.f32 v43, v35;
	v35 =	vadd.f32 v63, v42  }
.LBB2_5:
0x72: {  	p0 =	sne.s32 s19, $0x1F0;
	s20 =	sand.u32 $0x1F0, s18;
	v42 =	vld [tilespmem:s17+$0xFFFFFF90];
	v10 =	vadd.f32 v34, v10;
	v34 =	vmul.f32 v36, v33;
	s18 =	smov.u32 s19  }
0x73: {  	v36 =	vld [tilespmem:s20+$0x1C000];
	v35 =	vadd.f32 v40, v35;
	v38 =	vmul.f32 v38, v23  }
0x74: {  	v40 =	vld [tilespmem:s15+$0x60];
	v9 =	vadd.f32 v34, v9  }
0x75: {  	v34 =	vld [tilespmem:s17+$0xFFFFFFA0];
	v35 =	vadd.f32 v38, v35;
	v38 =	vmul.f32 v39, v26  }
0x76: {  	v39 =	vmul.f32 v41, v12;
	v41 =	vld [tilespmem:s15+$0x70];
	s15 =	smov.u32 s17  }
0x77: {  	v37 =	vmul.f32 v37, v25;
	v43 =	vld [tilespmem:s17+$0xFFFFFFB0];
	v35 =	vadd.f32 v38, v35  }
0x78: {  	v38 =	vmul.f32 v42, v13;
	v36 =	vadd.f32 v39, v36;
	v39 =	vld [tilespmem:s16+$0xFFFFFFF0]  }
0x79: {  	s16 =	sadd.s32 $0x80, s16;
	v42 =	vld [tilespmem:s17+$0xFFFFFFC0];
	v35 =	vadd.f32 v37, v35;
	v37 =	vmul.f32 v40, v24  }
0x7a: {  	v36 =	vadd.f32 v38, v36;
	v34 =	vmul.f32 v34, v14;
	v38 =	vld [tilespmem:s16+$0x0]  }
0x7b: {  	v40 =	vld [tilespmem:s17+$0xFFFFFFD0];
	v35 =	vadd.f32 v37, v35;
	v37 =	vmul.f32 v41, v27  }
0x7c: {  	v34 =	vadd.f32 v34, v36;
	v36 =	vmul.f32 v43, v15;
	v41 =	vld [tilespmem:s16+$0xFFFFFF90]  }
0x7d: {  	v43 =	vld [tilespmem:s17+$0xFFFFFFE0];
	v35 =	vadd.f32 v37, v35;
	v37 =	vmul.f32 v39, v33  }
0x7e: {  	v34 =	vadd.f32 v36, v34;
	v36 =	vmul.f32 v42, v16;
	v39 =	vld [tilespmem:s16+$0xFFFFFFA0]  }
0x7f: {  	v42 =	vld [tilespmem:s17+$0xFFFFFFF0];
	v33 =	vmax.f32 v35, $0.0e+00;
	v11 =	vadd.f32 v37, v11  }
0x80: {  	v34 =	vadd.f32 v36, v34;
	v35 =	vmul.f32 v40, v17;
	v36 =	vld [tilespmem:s16+$0xFFFFFFB0];
	v37 =	vmul.f32 v38, v33  }
0x81: {  	v38 =	vld [tilespmem:s17+$0x0];
	v40 =	vmul.f32 v33, v41  }
0x82: {  	v34 =	vadd.f32 v35, v34;
	v35 =	vmul.f32 v43, v18;
	v41 =	vld [tilespmem:s16+$0xFFFFFFC0];
	v29 =	vadd.f32 v37, v29  }
0x83: {  	v37 =	vld [tilespmem:s17+$0x10];
	v31 =	vadd.f32 v40, v31;
	v39 =	vmul.f32 v33, v39  }
0x84: {  	v34 =	vadd.f32 v35, v34;
	v35 =	vmul.f32 v42, v20;
	v40 =	vld [tilespmem:s16+$0xFFFFFFD0]  }
0x85: {  	v42 =	vld [tilespmem:s17+$0x20];
	v30 =	vadd.f32 v39, v30;
	v39 =	vmul.f32 v36, v33  }
.Ltmp1:
0x86: {  	v34 =	vadd.f32 v35, v34;
	v35 =	vmul.f32 v38, v22;
	v36 =	vld [tilespmem:s16+$0xFFFFFFE0];
	(pc) =	sbr.rel @p0 .LBB2_5-.Ltmp1, $4  }
0x87: {  	v38 =	vld [tilespmem:s17+$0x30];
	v32 =	vadd.f32 v39, v32;
	v41 =	vmul.f32 v41, v33  }
0x88: {  	v35 =	vadd.f32 v35, v34;
	v43 =	vmul.f32 v37, v19;
	v37 =	vld [tilespmem:s17+$0x50]  }
0x89: {  	s17 =	sadd.s32 $0x100, s17;
	v39 =	vld [tilespmem:s15+$0x40];
	v28 =	vadd.f32 v41, v28;
	v34 =	vmul.f32 v40, v33  }
0x8a: {  	s19 =	sadd.s32 $0x10, s19;
	v41 =	vld [tilespmem:s17+$0xFFFFFF80];
	v35 =	vadd.f32 v43, v35;
	v40 =	vmul.f32 v42, v21  }
0x8b: {  	s18 =	sand.u32 $0x1F0, s18;
	v42 =	vld [tilespmem:s17+$0xFFFFFF90]  }
0x8c: {  	v43 =	vld [tilespmem:s18+$0x1C000];
	_ =	sdelay $0x1  }
0x8d: {  	v44 =	vld [tilespmem:s17+$0xFFFFFFA0]  }
0x8e: {  	v12 =	vmul.f32 v41, v12  }
0x8f: {  	v47 =	vld [tilespmem:s17+$0xFFFFFFB0]  }
0x90: {  	v13 =	vmul.f32 v42, v13;
	v12 =	vadd.f32 v12, v43  }
0x91: {  	v48 =	vld [tilespmem:s17+$0xFFFFFFC0]  }
0x92: {  	v49 =	vmul.f32 v44, v14;
	v12 =	vadd.f32 v13, v12  }
0x93: {  	v50 =	vld [tilespmem:s17+$0xFFFFFFD0]  }
0x94: {  	v51 =	vmul.f32 v47, v15;
	v12 =	vadd.f32 v49, v12  }
0x95: {  	v52 =	vld [tilespmem:s17+$0xFFFFFFE0]  }
0x96: {  	v53 =	vmul.f32 v48, v16;
	v12 =	vadd.f32 v51, v12  }
0x97: {  	v54 =	vld [tilespmem:s17+$0xFFFFFFF0]  }
0x98: {  	v56 =	vld [tilespmem:s17+$0x0];
	v55 =	vmul.f32 v50, v17;
	v12 =	vadd.f32 v53, v12  }
0x99: {  	v57 =	vld [tilespmem:s15+$0x60]  }
0x9a: {  	v61 =	vld [tilespmem:s17+$0x10];
	v58 =	vmul.f32 v52, v18;
	v12 =	vadd.f32 v55, v12  }
0x9b: {  	v62 =	vld [tilespmem:s15+$0x70];
	v59 =	vadd.f32 v40, v35;
	v60 =	vmul.f32 v38, v23  }
0x9c: {  	v41 =	vld [tilespmem:s17+$0x20];
	v63 =	vmul.f32 v54, v20;
	v12 =	vadd.f32 v58, v12  }
0x9d: {  	v40 =	vmul.f32 v39, v26;
	v15 =	vadd.f32 v60, v59;
	v42 =	vld [tilespmem:s16+$0xFFFFFFF0]  }
0x9e: {  	v46 =	vld [tilespmem:s17+$0x30];
	v43 =	vmul.f32 v56, v22;
	v12 =	vadd.f32 v63, v12  }
0x9f: {  	v45 =	vmul.f32 v37, v25;
	v50 =	vld [tilespmem:s17+$0x40];
	v44 =	vadd.f32 v40, v15  }
0xa0: {  	v48 =	vmul.f32 v61, v19;
	v61 =	vld [tilespmem:s17+$0x70];
	v12 =	vadd.f32 v43, v12  }
0xa1: {  	s30 =	sadd.s32 $0x80, s16;
	v60 =	vmul.f32 v36, v33;
	v14 =	vadd.f32 v45, v44;
	v49 =	vmul.f32 v57, v24;
	v57 =	vld [tilespmem:s17+$0x60]  }
0xa2: {  	v52 =	vmul.f32 v41, v21;
	v20 =	vmul.f32 v42, v33;
	v33 =	vld [tilespmem:s30+$0xFFFFFFD0];
	v12 =	vadd.f32 v48, v12  }
0xa3: {  	v10 =	vadd.f32 v34, v10;
	v54 =	vmul.f32 v62, v27;
	v53 =	vld [tilespmem:s17+$0x50]  }
0xa4: {  	s31 =	sshll.u32 s14, $0x7;
	v56 =	vmul.f32 v46, v23;
	v51 =	vld [tilespmem:s30+$0xFFFFFF90];
	v14 =	vadd.f32 v49, v14;
	v12 =	vadd.f32 v52, v12  }
0xa5: {  	v34 =	vld [tilespmem:s30+$0xFFFFFFE0];
	v9 =	vadd.f32 v60, v9;
	v41 =	vmov s31;
	v59 =	vmul.f32 v50, v26  }
0xa6: {  	v62 =	vld [tilespmem:s30+$0xFFFFFFC0];
	v38 =	vmul.f32 v61, v27;
	v14 =	vadd.f32 v54, v14;
	v12 =	vadd.f32 v56, v12  }
0xa7: {  	v11 =	vadd.f32 v20, v11;
	v35 =	vmul.f32 v57, v24;
	v24 =	vshrl.u32 v41, $0x7  }
0xa8: {  	v47 =	vld [tilespmem:s30+$0x0];
	v14 =	vmax.f32 v14, $0.0e+00;
	v63 =	vmul.f32 v53, v25;
	v12 =	vadd.f32 v59, v12  }
0xa9: {  	v55 =	vld [tilespmem:s30+$0xFFFFFFA0];
	v24 =	vshll.u32 v24, $0x7;
	v19 =	vmul.f32 v14, v51;
	v17 =	vmul.f32 v33, v14  }
0xaa: {  	v20 =	vmul.f32 v34, v14;
	v24 =	vbroadcast v24, $0x0;
	v58 =	vld [tilespmem:s30+$0xFFFFFFB0];
	v12 =	vadd.f32 v63, v12  }
0xab: {  	s15 =	sadd.s32 $0x80, s30;
	v37 =	vld [tilespmem:s30+$0xFFFFFFF0];
	v42 =	vmul.f32 v62, v14;
	v19 =	vadd.f32 v19, v31;
	v10 =	vadd.f32 v17, v10  }
0xac: {  	v39 =	vld [tilespmem:s15+$0xFFFFFF90];
	v9 =	vadd.f32 v20, v9;
	v50 =	vor.u32 v2, v24;
	v12 =	vadd.f32 v35, v12  }
0xad: {  	v40 =	vld [tilespmem:s15+$0xFFFFFFA0];
	v61 =	vor.u32 v7, v24;
	v25 =	vmul.f32 v47, v14;
	v47 =	vor.u32 v0, v24  }
0xae: {  	v53 =	vor.u32 v3, v24;
	v36 =	vmul.f32 v14, v55;
	v43 =	vld [tilespmem:s15+$0xFFFFFFB0];
	v12 =	vadd.f32 v38, v12  }
0xaf: {  	v44 =	vld [tilespmem:s15+$0xFFFFFFC0];
	v15 =	vadd.f32 v25, v29;
	v25 =	vadd.f32 v42, v28;
	v18 =	vmul.f32 v58, v14  }
0xb0: {  	v45 =	vld [tilespmem:s15+$0xFFFFFFD0];
	v16 =	vadd.f32 v36, v30;
	v14 =	vmul.f32 v37, v14;
	v12 =	vmax.f32 v12, $0.0e+00  }
0xb1: {  	v49 =	vld [tilespmem:s15+$0xFFFFFFE0];
	v58 =	vor.u32 v5, v24;
	v18 =	vadd.f32 v18, v32;
	v46 =	vmul.f32 v12, v39  }
0xb2: {  	v11 =	vadd.f32 v14, v11;
	v52 =	vld [tilespmem:s15+$0xFFFFFFF0];
	v56 =	vor.u32 v4, v24;
	v48 =	vmul.f32 v12, v40  }
0xb3: {  	v54 =	vld [tilespmem:s15+$0x0];
	v59 =	vor.u32 v6, v24;
	v13 =	vmul.f32 v43, v12;
	v17 =	vadd.f32 v46, v19  }
0xb4: {  	v63 =	vor.u32 v8, v24;
	v51 =	vmul.f32 v44, v12;
	v16 =	vadd.f32 v48, v16  }
0xb5: {  	v55 =	vmul.f32 v45, v12;
	v13 =	vadd.f32 v13, v18;
	[tilespmem:v47+s11+$0x0] =	vst.idx.msk $0xffff, v17  }
0xb6: {  	s14 =	sadd.s32 $0x1, s14;
	v60 =	vmul.f32 v49, v12;
	v57 =	vadd.f32 v51, v25;
	[tilespmem:v50+s11+$0x0] =	vst.idx.msk $0xffff, v16  }
0xb7: {  	p0 =	sne.s32 s14, $0x20;
	v62 =	vmul.f32 v52, v12;
	v10 =	vadd.f32 v55, v10;
	[tilespmem:v53+s11+$0x0] =	vst.idx.msk $0xffff, v13  }
.Ltmp2:
0xb8: {  	v12 =	vmul.f32 v54, v12;
	v9 =	vadd.f32 v60, v9;
	[tilespmem:v56+s11+$0x0] =	vst.idx.msk $0xffff, v57;
	(pc) =	sbr.rel @p0 .LBB2_2-.Ltmp2, $4  }
0xb9: {  	v11 =	vadd.f32 v62, v11;
	[tilespmem:v58+s11+$0x0] =	vst.idx.msk $0xffff, v10  }
0xba: {  	v10 =	vadd.f32 v12, v15;
	[tilespmem:v59+s11+$0x0] =	vst.idx.msk $0xffff, v9  }
0xbb: {  	[tilespmem:v61+s11+$0x0] =	vst.idx.msk $0xffff, v11  }
0xbc: {  	s13 =	sadd.s32 $0xC80, s13;
	[tilespmem:v63+s11+$0x0] =	vst.idx.msk $0xffff, v10  }
0xbd: {  	s12 =	sadd.s32 $0x1, s12  }
0xbe: {  	p0 =	sne.s32 s12, s7  }
.Ltmp3:
0xbf: {  	_ = 	snop;
	(pc) =	sbr.rel @p0 .LBB2_1-.Ltmp3, $4  }
0xc0: {  	[hbm4b:s6+s2] =	stream.linear.scatter [tilespmem:s11], [sflag:$0x1], $0x1000, $0x38;
	[tilespmem:$0x1E280] =	vst v63  }
0xc1: {  	_ =	swait.ge [sflag:s8], $0x1000  }
0xc2: {  	[sflag:s8] =	ssyncset.done $0x0  }
0xc3: {  	[sflag:s8] =	ssyncadd.s32 $0xFFFFF000  }
0xc4: {  	_ =	sfence.sel $0x180000  }
0xc5: {  	[bflag:$0x0] =	sbarrier.arrive $0xFFFF  }
0xc6: {  	p0 =	sne.s32 s0, $0x0;
	_ =	strace $0x90000047  }
0xc7: {  	s0 =	sadd.s32 @!p0 $0x100000, s1;
	[bflag:$0x2] =	sbarrier.arrive $0xFFFF  }
0xc8: {  	[sflag:s0] =	ssyncadd.tile.s32 @!p0 $0x1;
	_ =	shalt  }
.Lfunc_end2:
_tile_overlayer_lowered:
.L_overlay_start_2:
0xc9: {  	(tag) =	ssettag $0x2  }
0xca: {  	s0 =	rddreg [dreg:$0x0];
	s2 =	stileid.u32  }
0xcb: {  	s1 =	rddreg [dreg:$0x1];
	p0 =	sne.s32 s2, $0x0  }
0xcc: {  	s3 =	rddreg [dreg:$0x2];
	[bflag:$0x3] =	sbarrier.arrive $0xFFFF;
	s2 =	simm.s32 @!p0 $0x1C01  }
0xcd: {  	[timem:s3], [sflag:s2] =	dma.local @!p0 [hbm:s0], s1  }
0xce: {  	s0 =	simm.s32 @!p0 $0x1  }
0xcf: {  	_ =	swait.ge @!p0 [sflag:s0], s1  }
0xd0: {  	s1 =	ssub.s32 @!p0 $0x0, s1;
	[sflag:s0] =	ssyncset.done @!p0 $0x0  }
0xd1: {  	[sflag:s0] =	ssyncadd.s32 @!p0 s1  }
0xd2: {  	[bflag:$0x3] =	sbarrier.arrive $0xFFFF  }
0xd3: {  	_ =	shalt  }

</sc_bundles>
